<compile_context>
chip_gen: v7x
topology: tpu7x:2x2x1
jax: 0.10.2.dev20260603
libtpu: 0.0.44.dev20260713+nightly
codegen_flags: <defaults>
</compile_context>

<pallas_src>
import functools

import jax
import jax.numpy as jnp
from jax import lax
from jax.experimental import pallas as pl
from jax.experimental.pallas import tpu as pltpu
from jax.experimental.pallas import tpu_sc as plsc

N_NODES = 10000
N_EDGES = 320000
DIM_IN = 128
H1 = 128
H2 = 64
DIM_OUT = 16

NC = 2
NS = 16
NW = NC * NS
C = 128
NCH0 = 79
NCH1 = 79
NCHM = max(NCH0, NCH1)
EPAD = NS * (NCH0 + NCH1) * C
N2 = 10112
STRIPE = N2 // NS

BN = 2528
GRID = 4

_MESH = dict(core_axis_name="c", subcore_axis_name="s")
DEGW = 128
NSTR = 4


def _make_agg(D):

    @functools.partial(
        pl.kernel,
        mesh=plsc.VectorSubcoreMesh(**_MESH),
        out_type=jax.ShapeDtypeStruct((NC, N2, D), jnp.float32),
        scratch_types=[
            pltpu.VMEM((NCHM, C), jnp.int32),
            pltpu.VMEM((NCHM, C), jnp.int32),
            pltpu.VMEM((C, D), jnp.float32),
            pltpu.VMEM_SHARED((N2, D), jnp.float32),
        ] + [pltpu.SemaphoreType.DMA] * NSTR,
    )
    def agg(f_hbm, src_hbm, dst_hbm, out_hbm, src_v, dst_v, buf0,
            table, *gsems):
        cid = lax.axis_index("c")
        sid = lax.axis_index("s")
        wid = sid * NC + cid
        pltpu.sync_copy(
            f_hbm.at[pl.ds(sid * STRIPE, STRIPE)],
            table.at[pl.ds(sid * STRIPE, STRIPE)],
        )
        plsc.subcore_barrier()

        pltpu.sync_copy(src_hbm.at[wid], src_v)
        pltpu.sync_copy(dst_hbm.at[wid], dst_v)

        CS = C // NSTR

        def body(k, carry):
            cps = [
                pltpu.async_copy(
                    f_hbm.at[src_v.at[k, pl.ds(j * CS, CS)]],
                    buf0.at[pl.ds(j * CS, CS)], gsems[j])
                for j in range(NSTR)
            ]
            for cp in cps:
                cp.wait()
            pltpu.sync_copy(buf0, table.at[dst_v.at[k]], add=True)
            return carry

        nch = NCH0 if NCH0 == NCH1 else jnp.where(cid == 0, NCH0, NCH1)
        lax.fori_loop(0, nch, body, 0)
        plsc.subcore_barrier()
        pltpu.sync_copy(
            table.at[pl.ds(sid * STRIPE, STRIPE)],
            out_hbm.at[cid, pl.ds(sid * STRIPE, STRIPE)],
        )

    return agg


@functools.partial(
    pl.kernel,
    mesh=plsc.VectorSubcoreMesh(**_MESH),
    out_type=jax.ShapeDtypeStruct((NC, N2, DEGW), jnp.float32),
    scratch_types=[
        pltpu.VMEM((NCHM, C), jnp.int32),
        pltpu.VMEM((C, DEGW), jnp.float32),
        pltpu.VMEM_SHARED((N2, DEGW), jnp.float32),
    ],
)
def _deg(dst_hbm, ones_hbm, out_hbm, dst_v, ones_v, table):
    cid = lax.axis_index("c")
    sid = lax.axis_index("s")
    wid = sid * NC + cid
    pltpu.sync_copy(dst_hbm.at[wid], dst_v)
    pltpu.sync_copy(ones_hbm.at[pl.ds(0, C)], ones_v)
    pltpu.sync_copy(
        ones_hbm.at[pl.ds(sid * STRIPE, STRIPE)],
        table.at[pl.ds(sid * STRIPE, STRIPE)],
    )
    plsc.subcore_barrier()

    def body(k, carry):
        pltpu.sync_copy(ones_v, table.at[dst_v.at[k]], add=True)
        return carry

    lax.fori_loop(0, NCH0 if NCH0 == NCH1 else jnp.where(cid == 0, NCH0, NCH1), body, 0)
    plsc.subcore_barrier()
    pltpu.sync_copy(
        table.at[pl.ds(sid * STRIPE, STRIPE)],
        out_hbm.at[cid, pl.ds(sid * STRIPE, STRIPE)],
    )


def _k1(x, W1, parts):

    def body(x_ref, w_ref, p_ref, f_ref, dis_ref):
        deg = p_ref[0][:, 0:1] + p_ref[1][:, 0:1] - 1.0
        dis = lax.rsqrt(deg)
        h = jnp.dot(x_ref[...], w_ref[...], preferred_element_type=jnp.float32)
        f_ref[...] = dis * h
        dis_ref[...] = dis

    return pl.pallas_call(
        body,
        grid=(GRID,),
        in_specs=[
            pl.BlockSpec((BN, DIM_IN), lambda i: (i, 0)),
            pl.BlockSpec((DIM_IN, H1), lambda i: (0, 0)),
            pl.BlockSpec((2, BN, DEGW), lambda i: (0, i, 0)),
        ],
        out_specs=[
            pl.BlockSpec((BN, H1), lambda i: (i, 0)),
            pl.BlockSpec((BN, 1), lambda i: (i, 0)),
        ],
        out_shape=[
            jax.ShapeDtypeStruct((N2, H1), jnp.float32),
            jax.ShapeDtypeStruct((N2, 1), jnp.float32),
        ],
    )(x, W1, parts)


def _k2(t1, f1, dis, b1):

    def body(t_ref, f_ref, d_ref, b_ref, o_ref):
        s = t_ref[0] + t_ref[1] - f_ref[...]
        h = jnp.maximum(d_ref[...] * s + b_ref[...], 0.0)
        o_ref[...] = d_ref[...] * h

    return pl.pallas_call(
        body,
        grid=(GRID,),
        in_specs=[
            pl.BlockSpec((2, BN, H1), lambda i: (0, i, 0)),
            pl.BlockSpec((BN, H1), lambda i: (i, 0)),
            pl.BlockSpec((BN, 1), lambda i: (i, 0)),
            pl.BlockSpec((1, H1), lambda i: (0, 0)),
        ],
        out_specs=pl.BlockSpec((BN, H1), lambda i: (i, 0)),
        out_shape=jax.ShapeDtypeStruct((N2, H1), jnp.float32),
    )(t1, f1, dis, b1)


def _k3(t2, g, dis, W2, b2, W_lin, b_lin):

    def body(t_ref, g_ref, d_ref, w2_ref, b_ref, w_ref, bl_ref, lg_ref,
             pr_ref):
        s = d_ref[...] * (t_ref[0] + t_ref[1] - g_ref[...])
        h = jnp.maximum(
            jnp.dot(s, w2_ref[...], preferred_element_type=jnp.float32)
            + b_ref[...], 0.0)
        lg = jnp.dot(h, w_ref[...], preferred_element_type=jnp.float32)
        lg = lg + bl_ref[...]
        lg_ref[...] = lg
        m = jnp.max(lg, axis=1, keepdims=True)
        e = jnp.exp(lg - m)
        pr_ref[...] = e / jnp.sum(e, axis=1, keepdims=True)

    return pl.pallas_call(
        body,
        grid=(GRID,),
        in_specs=[
            pl.BlockSpec((2, BN, H1), lambda i: (0, i, 0)),
            pl.BlockSpec((BN, H1), lambda i: (i, 0)),
            pl.BlockSpec((BN, 1), lambda i: (i, 0)),
            pl.BlockSpec((H1, H2), lambda i: (0, 0)),
            pl.BlockSpec((1, H2), lambda i: (0, 0)),
            pl.BlockSpec((H2, DIM_OUT), lambda i: (0, 0)),
            pl.BlockSpec((1, DIM_OUT), lambda i: (0, 0)),
        ],
        out_specs=[
            pl.BlockSpec((BN, DIM_OUT), lambda i: (i, 0)),
            pl.BlockSpec((BN, DIM_OUT), lambda i: (i, 0)),
        ],
        out_shape=[
            jax.ShapeDtypeStruct((N_NODES, DIM_OUT), jnp.float32),
            jax.ShapeDtypeStruct((N_NODES, DIM_OUT), jnp.float32),
        ],
    )(t2, g, dis, W2, b2, W_lin, b_lin)


_agg128 = _make_agg(H1)


def kernel(x, edge_index, W1, b1, W2, b2, W_lin, b_lin):
    src = edge_index[0].astype(jnp.int32)
    dst = edge_index[1].astype(jnp.int32)
    pad = EPAD - N_EDGES
    src_t = jnp.concatenate([src, jnp.zeros((pad,), jnp.int32)]).reshape(
        NW, NCHM, C)
    pad_dst = N_NODES + jnp.arange(pad, dtype=jnp.int32) % (N2 - N_NODES)
    dst_t = jnp.concatenate([dst, pad_dst]).reshape(NW, NCHM, C)
    ones16 = jnp.ones((N2, DEGW), jnp.float32)

    parts = _deg(dst_t, ones16)
    f1, dis = _k1(x, W1, parts)
    t1 = _agg128(f1, src_t, dst_t)
    g = _k2(t1, f1, dis, b1.reshape(1, H1))
    t2 = _agg128(g, src_t, dst_t)
    logits, probs = _k3(t2, g, dis, W2, b2.reshape(1, H2), W_lin,
                        b_lin.reshape(1, DIM_OUT))
    return (logits, probs)

# --- scband reference (transcript-rebuilt; emitter-appended) ---
"""Pipeline reference for scband-old-gcn-64424509440201 (READ-ONLY COPY).

The authoritative reference and input builder live on the scoring server;
editing this copy changes nothing except your own understanding.
"""

import jax, jax.numpy as jnp
import numpy as np

N_NODES = 10000
N_EDGES = 320000
DIM_IN = 128
H1 = 128
H2 = 64
DIM_OUT = 16


def setup_inputs(seed: int = 0) -> dict:
    key = jax.random.key(seed)
    ks = jax.random.split(key, 9)
    x = jax.random.normal(ks[0], (N_NODES, DIM_IN), dtype=jnp.float32)
    edge_index = jax.random.randint(ks[1], (2, N_EDGES), 0, N_NODES, dtype=jnp.int64 if jax.config.jax_enable_x64 else jnp.int32)
    # GCNConv-style glorot init for weights, zeros for biases
    def glorot(k, fan_in, fan_out):
        limit = jnp.sqrt(6.0 / (fan_in + fan_out))
        return jax.random.uniform(k, (fan_in, fan_out), dtype=jnp.float32, minval=-limit, maxval=limit)
    W1 = glorot(ks[2], DIM_IN, H1)
    b1 = jnp.zeros((H1,), dtype=jnp.float32)
    W2 = glorot(ks[3], H1, H2)
    b2 = jnp.zeros((H2,), dtype=jnp.float32)
    W_lin = glorot(ks[4], H2, DIM_OUT)
    b_lin = jnp.zeros((DIM_OUT,), dtype=jnp.float32)
    return {"x": x, "edge_index": edge_index, "W1": W1, "b1": b1, "W2": W2, "b2": b2, "W_lin": W_lin, "b_lin": b_lin}


def gcn_conv(x, edge_index, W, b):
    num_nodes = x.shape[0]
    src = edge_index[0]
    dst = edge_index[1]
    # add self loops (PyG GCNConv default)
    loop = jnp.arange(num_nodes, dtype=src.dtype)
    src = jnp.concatenate([src, loop])
    dst = jnp.concatenate([dst, loop])
    # symmetric normalization: deg from dst with unit edge weights
    deg = jnp.zeros((num_nodes,), dtype=x.dtype).at[dst].add(1.0)
    deg_inv_sqrt = jnp.where(deg > 0, jax.lax.rsqrt(deg), 0.0)
    norm = deg_inv_sqrt[src] * deg_inv_sqrt[dst]
    h = x @ W
    msg = h[src] * norm[:, None]
    out = jax.ops.segment_sum(msg, dst, num_segments=num_nodes)
    return out + b


def reference(x, edge_index, W1, b1, W2, b2, W_lin, b_lin):
    h = gcn_conv(x, edge_index, W1, b1)
    h = jax.nn.relu(h)
    # dropout p=0.0 -> no-op
    h = gcn_conv(h, edge_index, W2, b2)
    h = jax.nn.relu(h)
    logits = h @ W_lin + b_lin
    return (logits, jax.nn.softmax(logits, axis=1))

if __name__ == "__main__":
    import jax
    _d = setup_inputs()
    print(jax.jit(kernel)(*tuple(_d.values())))

</pallas_src>

<mosaic_0001>
#map = affine_map<(d0, d1) -> (0, 0)>
#map1 = affine_map<(d0, d1) -> (0, 0, 0)>
module attributes {stable_mosaic.version = 14 : i64} {
  func.func @agg(%arg0: i32, %arg1: i32, %arg2: memref<10112x128xf32, #tpu.memory_space<hbm>>, %arg3: memref<32x79x128xi32, #tpu.memory_space<hbm>>, %arg4: memref<32x79x128xi32, #tpu.memory_space<hbm>>, %arg5: memref<2x10112x128xf32, #tpu.memory_space<hbm>>, %arg6: memref<79x128xi32, #tpu.memory_space<vmem>>, %arg7: memref<79x128xi32, #tpu.memory_space<vmem>>, %arg8: memref<128x128xf32, #tpu.memory_space<vmem>>, %arg9: memref<10112x128xf32, #tpu.memory_space<vmem_shared>>, %arg10: memref<!tpu.dma_semaphore, #tpu.memory_space<semaphore_mem>>, %arg11: memref<!tpu.dma_semaphore, #tpu.memory_space<semaphore_mem>>, %arg12: memref<!tpu.dma_semaphore, #tpu.memory_space<semaphore_mem>>, %arg13: memref<!tpu.dma_semaphore, #tpu.memory_space<semaphore_mem>>) attributes {dimension_semantics = [#tpu.dimension_semantics<core_parallel>, #tpu.dimension_semantics<subcore_parallel>], iteration_bounds = array<i64: 2, 16>, scalar_prefetch = 0 : i64, scratch_operands = 8 : i64, tpu.core_type = #tpu.core_type<sc_vector_subcore>, window_params = [{transform_indices = #map}, {transform_indices = #map1}, {transform_indices = #map1}, {transform_indices = #map1}]} {
    %mul3A = arith.constant 2 : i32
    %mul3A_0 = arith.muli %arg1, %mul3A : i32
    %add3A = arith.addi %mul3A_0, %arg0 : i32
    %mul3A_1 = arith.constant 632 : i32
    %mul3A_2 = arith.muli %arg1, %mul3A_1 : i32
    %mul3A_3 = arith.constant 632 : i32
    %mul3A_4 = arith.muli %arg1, %mul3A_3 : i32
    "tpu.region"() ({
      %run_scoped3A = tpu.sem_alloc : memref<!tpu.dma_semaphore, #tpu.memory_space<semaphore_mem>>
      %dma_start3A = arith.constant 0 : i32
      %dma_start3A_15 = tpu.memref_slice %arg9[%mul3A_4, %dma_start3A] : memref<10112x128xf32, #tpu.memory_space<vmem_shared>> -> memref<632x128xf32, #tpu.memory_space<vmem_shared>>
      %dma_start3A_16 = arith.constant 0 : i32
      %dma_start3A_17 = tpu.memref_slice %arg2[%mul3A_2, %dma_start3A_16] : memref<10112x128xf32, #tpu.memory_space<hbm>> -> memref<632x128xf32, #tpu.memory_space<hbm>>
      tpu.enqueue_dma source(%dma_start3A_17 : memref<632x128xf32, #tpu.memory_space<hbm>>) target(%dma_start3A_15 : memref<632x128xf32, #tpu.memory_space<vmem_shared>>) target_semaphore(%run_scoped3A : memref<!tpu.dma_semaphore, #tpu.memory_space<semaphore_mem>>)
      %dma_wait3A = arith.constant 0 : i32
      %dma_wait3A_18 = tpu.memref_slice %arg9[%mul3A_4, %dma_wait3A] : memref<10112x128xf32, #tpu.memory_space<vmem_shared>> -> memref<632x128xf32, #tpu.memory_space<vmem_shared>>
      %dma_wait3A_19 = arith.constant 0 : i32
      %dma_wait3A_20 = tpu.memref_slice %arg2[%mul3A_2, %dma_wait3A_19] : memref<10112x128xf32, #tpu.memory_space<hbm>> -> memref<632x128xf32, #tpu.memory_space<hbm>>
      tpu.wait_dma2 semaphore(%run_scoped3A : memref<!tpu.dma_semaphore, #tpu.memory_space<semaphore_mem>>) src(%dma_wait3A_20 : memref<632x128xf32, #tpu.memory_space<hbm>>) dst(%dma_wait3A_18 : memref<632x128xf32, #tpu.memory_space<vmem_shared>>)
      tpu.yield
    }) : () -> ()
    %barrier3A = arith.constant 0 : index
    tpu.barrier barrier_id(%barrier3A)
    "tpu.region"() ({
      %run_scoped3A = tpu.sem_alloc : memref<!tpu.dma_semaphore, #tpu.memory_space<semaphore_mem>>
      %dma_start3A = arith.constant 0 : i32
      %dma_start3A_15 = arith.constant 0 : i32
      %dma_start3A_16 = tpu.memref_slice %arg3[%add3A, %dma_start3A, %dma_start3A_15] : memref<32x79x128xi32, #tpu.memory_space<hbm>> -> memref<1x79x128xi32, #tpu.memory_space<hbm>>
      %dma_start3A_17 = tpu.memref_squeeze %dma_start3A_16 : memref<1x79x128xi32, #tpu.memory_space<hbm>> -> memref<79x128xi32, #tpu.memory_space<hbm>>
      %dma_start3A_18 = arith.constant 0 : i32
      %dma_start3A_19 = arith.constant 0 : i32
      %dma_start3A_20 = tpu.memref_slice %arg3[%add3A, %dma_start3A_18, %dma_start3A_19] : memref<32x79x128xi32, #tpu.memory_space<hbm>> -> memref<1x79x128xi32, #tpu.memory_space<hbm>>
      %dma_start3A_21 = tpu.memref_squeeze %dma_start3A_20 : memref<1x79x128xi32, #tpu.memory_space<hbm>> -> memref<79x128xi32, #tpu.memory_space<hbm>>
      tpu.enqueue_dma source(%dma_start3A_21 : memref<79x128xi32, #tpu.memory_space<hbm>>) target(%arg6 : memref<79x128xi32, #tpu.memory_space<vmem>>) target_semaphore(%run_scoped3A : memref<!tpu.dma_semaphore, #tpu.memory_space<semaphore_mem>>)
      %dma_wait3A = arith.constant 0 : i32
      %dma_wait3A_22 = arith.constant 0 : i32
      %dma_wait3A_23 = tpu.memref_slice %arg3[%add3A, %dma_wait3A, %dma_wait3A_22] : memref<32x79x128xi32, #tpu.memory_space<hbm>> -> memref<1x79x128xi32, #tpu.memory_space<hbm>>
      %dma_wait3A_24 = tpu.memref_squeeze %dma_wait3A_23 : memref<1x79x128xi32, #tpu.memory_space<hbm>> -> memref<79x128xi32, #tpu.memory_space<hbm>>
      %dma_wait3A_25 = arith.constant 0 : i32
      %dma_wait3A_26 = arith.constant 0 : i32
      %dma_wait3A_27 = tpu.memref_slice %arg3[%add3A, %dma_wait3A_25, %dma_wait3A_26] : memref<32x79x128xi32, #tpu.memory_space<hbm>> -> memref<1x79x128xi32, #tpu.memory_space<hbm>>
      %dma_wait3A_28 = tpu.memref_squeeze %dma_wait3A_27 : memref<1x79x128xi32, #tpu.memory_space<hbm>> -> memref<79x128xi32, #tpu.memory_space<hbm>>
      tpu.wait_dma2 semaphore(%run_scoped3A : memref<!tpu.dma_semaphore, #tpu.memory_space<semaphore_mem>>) src(%dma_wait3A_28 : memref<79x128xi32, #tpu.memory_space<hbm>>) dst(%arg6 : memref<79x128xi32, #tpu.memory_space<vmem>>)
      tpu.yield
    }) : () -> ()
    "tpu.region"() ({
      %run_scoped3A = tpu.sem_alloc : memref<!tpu.dma_semaphore, #tpu.memory_space<semaphore_mem>>
      %dma_start3A = arith.constant 0 : i32
      %dma_start3A_15 = arith.constant 0 : i32
      %dma_start3A_16 = tpu.memref_slice %arg4[%add3A, %dma_start3A, %dma_start3A_15] : memref<32x79x128xi32, #tpu.memory_space<hbm>> -> memref<1x79x128xi32, #tpu.memory_space<hbm>>
      %dma_start3A_17 = tpu.memref_squeeze %dma_start3A_16 : memref<1x79x128xi32, #tpu.memory_space<hbm>> -> memref<79x128xi32, #tpu.memory_space<hbm>>
      %dma_start3A_18 = arith.constant 0 : i32
      %dma_start3A_19 = arith.constant 0 : i32
      %dma_start3A_20 = tpu.memref_slice %arg4[%add3A, %dma_start3A_18, %dma_start3A_19] : memref<32x79x128xi32, #tpu.memory_space<hbm>> -> memref<1x79x128xi32, #tpu.memory_space<hbm>>
      %dma_start3A_21 = tpu.memref_squeeze %dma_start3A_20 : memref<1x79x128xi32, #tpu.memory_space<hbm>> -> memref<79x128xi32, #tpu.memory_space<hbm>>
      tpu.enqueue_dma source(%dma_start3A_21 : memref<79x128xi32, #tpu.memory_space<hbm>>) target(%arg7 : memref<79x128xi32, #tpu.memory_space<vmem>>) target_semaphore(%run_scoped3A : memref<!tpu.dma_semaphore, #tpu.memory_space<semaphore_mem>>)
      %dma_wait3A = arith.constant 0 : i32
      %dma_wait3A_22 = arith.constant 0 : i32
      %dma_wait3A_23 = tpu.memref_slice %arg4[%add3A, %dma_wait3A, %dma_wait3A_22] : memref<32x79x128xi32, #tpu.memory_space<hbm>> -> memref<1x79x128xi32, #tpu.memory_space<hbm>>
      %dma_wait3A_24 = tpu.memref_squeeze %dma_wait3A_23 : memref<1x79x128xi32, #tpu.memory_space<hbm>> -> memref<79x128xi32, #tpu.memory_space<hbm>>
      %dma_wait3A_25 = arith.constant 0 : i32
      %dma_wait3A_26 = arith.constant 0 : i32
      %dma_wait3A_27 = tpu.memref_slice %arg4[%add3A, %dma_wait3A_25, %dma_wait3A_26] : memref<32x79x128xi32, #tpu.memory_space<hbm>> -> memref<1x79x128xi32, #tpu.memory_space<hbm>>
      %dma_wait3A_28 = tpu.memref_squeeze %dma_wait3A_27 : memref<1x79x128xi32, #tpu.memory_space<hbm>> -> memref<79x128xi32, #tpu.memory_space<hbm>>
      tpu.wait_dma2 semaphore(%run_scoped3A : memref<!tpu.dma_semaphore, #tpu.memory_space<semaphore_mem>>) src(%dma_wait3A_28 : memref<79x128xi32, #tpu.memory_space<hbm>>) dst(%arg7 : memref<79x128xi32, #tpu.memory_space<vmem>>)
      tpu.yield
    }) : () -> ()
    %scan3A = arith.constant 0 : i32
    %scan3A_5 = arith.constant 0 : i32
    %scan3A_6 = arith.constant 79 : i32
    %scan3A_7 = arith.addi %scan3A_5, %scan3A_6 : i32
    %scan3A_8 = arith.constant 1 : i32
    scf.for %scan3A_15 = %scan3A_5 to %scan3A_7 step %scan3A_8  : i32 {
      %dma_start3A = arith.constant 0 : i32
      %dma_start3A_16 = arith.constant 0 : i32
      %dma_start3A_17 = tpu.memref_slice %arg8[%dma_start3A, %dma_start3A_16] : memref<128x128xf32, #tpu.memory_space<vmem>> -> memref<32x128xf32, #tpu.memory_space<vmem>>
      %dma_start3A_18 = arith.constant 0 : i32
      %dma_start3A_19 = tpu.memref_slice %arg6[%scan3A_15, %dma_start3A_18] : memref<79x128xi32, #tpu.memory_space<vmem>> -> memref<1x32xi32, #tpu.memory_space<vmem>>
      %dma_start3A_20 = tpu.memref_squeeze %dma_start3A_19 : memref<1x32xi32, #tpu.memory_space<vmem>> -> memref<32xi32, #tpu.memory_space<vmem>>
      %dma_start3A_21 = arith.constant 0 : i32
      %dma_start3A_22 = arith.constant 0 : i32
      %dma_start3A_23 = tpu.memref_slice %arg2[%dma_start3A_21, %dma_start3A_22] : memref<10112x128xf32, #tpu.memory_space<hbm>> -> memref<10112x128xf32, #tpu.memory_space<hbm>>
      tpu.enqueue_indirect_dma source(%dma_start3A_23 : memref<10112x128xf32, #tpu.memory_space<hbm>>) target(%dma_start3A_17 : memref<32x128xf32, #tpu.memory_space<vmem>>) offsets(%dma_start3A_20 : memref<32xi32, #tpu.memory_space<vmem>>) semaphore(%arg10 : memref<!tpu.dma_semaphore, #tpu.memory_space<semaphore_mem>>)
      %dma_start3A_24 = arith.constant 32 : i32
      %dma_start3A_25 = arith.constant 0 : i32
      %dma_start3A_26 = tpu.memref_slice %arg8[%dma_start3A_24, %dma_start3A_25] : memref<128x128xf32, #tpu.memory_space<vmem>> -> memref<32x128xf32, #tpu.memory_space<vmem>>
      %dma_start3A_27 = arith.constant 32 : i32
      %dma_start3A_28 = tpu.memref_slice %arg6[%scan3A_15, %dma_start3A_27] : memref<79x128xi32, #tpu.memory_space<vmem>> -> memref<1x32xi32, #tpu.memory_space<vmem>>
      %dma_start3A_29 = tpu.memref_squeeze %dma_start3A_28 : memref<1x32xi32, #tpu.memory_space<vmem>> -> memref<32xi32, #tpu.memory_space<vmem>>
      %dma_start3A_30 = arith.constant 0 : i32
      %dma_start3A_31 = arith.constant 0 : i32
      %dma_start3A_32 = tpu.memref_slice %arg2[%dma_start3A_30, %dma_start3A_31] : memref<10112x128xf32, #tpu.memory_space<hbm>> -> memref<10112x128xf32, #tpu.memory_space<hbm>>
      tpu.enqueue_indirect_dma source(%dma_start3A_32 : memref<10112x128xf32, #tpu.memory_space<hbm>>) target(%dma_start3A_26 : memref<32x128xf32, #tpu.memory_space<vmem>>) offsets(%dma_start3A_29 : memref<32xi32, #tpu.memory_space<vmem>>) semaphore(%arg11 : memref<!tpu.dma_semaphore, #tpu.memory_space<semaphore_mem>>)
      %dma_start3A_33 = arith.constant 64 : i32
      %dma_start3A_34 = arith.constant 0 : i32
      %dma_start3A_35 = tpu.memref_slice %arg8[%dma_start3A_33, %dma_start3A_34] : memref<128x128xf32, #tpu.memory_space<vmem>> -> memref<32x128xf32, #tpu.memory_space<vmem>>
      %dma_start3A_36 = arith.constant 64 : i32
      %dma_start3A_37 = tpu.memref_slice %arg6[%scan3A_15, %dma_start3A_36] : memref<79x128xi32, #tpu.memory_space<vmem>> -> memref<1x32xi32, #tpu.memory_space<vmem>>
      %dma_start3A_38 = tpu.memref_squeeze %dma_start3A_37 : memref<1x32xi32, #tpu.memory_space<vmem>> -> memref<32xi32, #tpu.memory_space<vmem>>
      %dma_start3A_39 = arith.constant 0 : i32
      %dma_start3A_40 = arith.constant 0 : i32
      %dma_start3A_41 = tpu.memref_slice %arg2[%dma_start3A_39, %dma_start3A_40] : memref<10112x128xf32, #tpu.memory_space<hbm>> -> memref<10112x128xf32, #tpu.memory_space<hbm>>
      tpu.enqueue_indirect_dma source(%dma_start3A_41 : memref<10112x128xf32, #tpu.memory_space<hbm>>) target(%dma_start3A_35 : memref<32x128xf32, #tpu.memory_space<vmem>>) offsets(%dma_start3A_38 : memref<32xi32, #tpu.memory_space<vmem>>) semaphore(%arg12 : memref<!tpu.dma_semaphore, #tpu.memory_space<semaphore_mem>>)
      %dma_start3A_42 = arith.constant 96 : i32
      %dma_start3A_43 = arith.constant 0 : i32
      %dma_start3A_44 = tpu.memref_slice %arg8[%dma_start3A_42, %dma_start3A_43] : memref<128x128xf32, #tpu.memory_space<vmem>> -> memref<32x128xf32, #tpu.memory_space<vmem>>
      %dma_start3A_45 = arith.constant 96 : i32
      %dma_start3A_46 = tpu.memref_slice %arg6[%scan3A_15, %dma_start3A_45] : memref<79x128xi32, #tpu.memory_space<vmem>> -> memref<1x32xi32, #tpu.memory_space<vmem>>
      %dma_start3A_47 = tpu.memref_squeeze %dma_start3A_46 : memref<1x32xi32, #tpu.memory_space<vmem>> -> memref<32xi32, #tpu.memory_space<vmem>>
      %dma_start3A_48 = arith.constant 0 : i32
      %dma_start3A_49 = arith.constant 0 : i32
      %dma_start3A_50 = tpu.memref_slice %arg2[%dma_start3A_48, %dma_start3A_49] : memref<10112x128xf32, #tpu.memory_space<hbm>> -> memref<10112x128xf32, #tpu.memory_space<hbm>>
      tpu.enqueue_indirect_dma source(%dma_start3A_50 : memref<10112x128xf32, #tpu.memory_space<hbm>>) target(%dma_start3A_44 : memref<32x128xf32, #tpu.memory_space<vmem>>) offsets(%dma_start3A_47 : memref<32xi32, #tpu.memory_space<vmem>>) semaphore(%arg13 : memref<!tpu.dma_semaphore, #tpu.memory_space<semaphore_mem>>)
      %dma_wait3A = arith.constant 0 : i32
      %dma_wait3A_51 = arith.constant 0 : i32
      %dma_wait3A_52 = tpu.memref_slice %arg8[%dma_wait3A, %dma_wait3A_51] : memref<128x128xf32, #tpu.memory_space<vmem>> -> memref<32x128xf32, #tpu.memory_space<vmem>>
      %dma_wait3A_53 = arith.constant 0 : i32
      %dma_wait3A_54 = tpu.memref_slice %arg6[%scan3A_15, %dma_wait3A_53] : memref<79x128xi32, #tpu.memory_space<vmem>> -> memref<1x32xi32, #tpu.memory_space<vmem>>
      %dma_wait3A_55 = tpu.memref_squeeze %dma_wait3A_54 : memref<1x32xi32, #tpu.memory_space<vmem>> -> memref<32xi32, #tpu.memory_space<vmem>>
      %dma_wait3A_56 = arith.constant 0 : i32
      %dma_wait3A_57 = arith.constant 0 : i32
      %dma_wait3A_58 = tpu.memref_slice %arg2[%dma_wait3A_56, %dma_wait3A_57] : memref<10112x128xf32, #tpu.memory_space<hbm>> -> memref<10112x128xf32, #tpu.memory_space<hbm>>
      tpu.wait_indirect_dma semaphore(%arg10 : memref<!tpu.dma_semaphore, #tpu.memory_space<semaphore_mem>>) src(%dma_wait3A_58 : memref<10112x128xf32, #tpu.memory_space<hbm>>) dst(%dma_wait3A_52 : memref<32x128xf32, #tpu.memory_space<vmem>>)
      %dma_wait3A_59 = arith.constant 32 : i32
      %dma_wait3A_60 = arith.constant 0 : i32
      %dma_wait3A_61 = tpu.memref_slice %arg8[%dma_wait3A_59, %dma_wait3A_60] : memref<128x128xf32, #tpu.memory_space<vmem>> -> memref<32x128xf32, #tpu.memory_space<vmem>>
      %dma_wait3A_62 = arith.constant 32 : i32
      %dma_wait3A_63 = tpu.memref_slice %arg6[%scan3A_15, %dma_wait3A_62] : memref<79x128xi32, #tpu.memory_space<vmem>> -> memref<1x32xi32, #tpu.memory_space<vmem>>
      %dma_wait3A_64 = tpu.memref_squeeze %dma_wait3A_63 : memref<1x32xi32, #tpu.memory_space<vmem>> -> memref<32xi32, #tpu.memory_space<vmem>>
      %dma_wait3A_65 = arith.constant 0 : i32
      %dma_wait3A_66 = arith.constant 0 : i32
      %dma_wait3A_67 = tpu.memref_slice %arg2[%dma_wait3A_65, %dma_wait3A_66] : memref<10112x128xf32, #tpu.memory_space<hbm>> -> memref<10112x128xf32, #tpu.memory_space<hbm>>
      tpu.wait_indirect_dma semaphore(%arg11 : memref<!tpu.dma_semaphore, #tpu.memory_space<semaphore_mem>>) src(%dma_wait3A_67 : memref<10112x128xf32, #tpu.memory_space<hbm>>) dst(%dma_wait3A_61 : memref<32x128xf32, #tpu.memory_space<vmem>>)
      %dma_wait3A_68 = arith.constant 64 : i32
      %dma_wait3A_69 = arith.constant 0 : i32
      %dma_wait3A_70 = tpu.memref_slice %arg8[%dma_wait3A_68, %dma_wait3A_69] : memref<128x128xf32, #tpu.memory_space<vmem>> -> memref<32x128xf32, #tpu.memory_space<vmem>>
      %dma_wait3A_71 = arith.constant 64 : i32
      %dma_wait3A_72 = tpu.memref_slice %arg6[%scan3A_15, %dma_wait3A_71] : memref<79x128xi32, #tpu.memory_space<vmem>> -> memref<1x32xi32, #tpu.memory_space<vmem>>
      %dma_wait3A_73 = tpu.memref_squeeze %dma_wait3A_72 : memref<1x32xi32, #tpu.memory_space<vmem>> -> memref<32xi32, #tpu.memory_space<vmem>>
      %dma_wait3A_74 = arith.constant 0 : i32
      %dma_wait3A_75 = arith.constant 0 : i32
      %dma_wait3A_76 = tpu.memref_slice %arg2[%dma_wait3A_74, %dma_wait3A_75] : memref<10112x128xf32, #tpu.memory_space<hbm>> -> memref<10112x128xf32, #tpu.memory_space<hbm>>
      tpu.wait_indirect_dma semaphore(%arg12 : memref<!tpu.dma_semaphore, #tpu.memory_space<semaphore_mem>>) src(%dma_wait3A_76 : memref<10112x128xf32, #tpu.memory_space<hbm>>) dst(%dma_wait3A_70 : memref<32x128xf32, #tpu.memory_space<vmem>>)
      %dma_wait3A_77 = arith.constant 96 : i32
      %dma_wait3A_78 = arith.constant 0 : i32
      %dma_wait3A_79 = tpu.memref_slice %arg8[%dma_wait3A_77, %dma_wait3A_78] : memref<128x128xf32, #tpu.memory_space<vmem>> -> memref<32x128xf32, #tpu.memory_space<vmem>>
      %dma_wait3A_80 = arith.constant 96 : i32
      %dma_wait3A_81 = tpu.memref_slice %arg6[%scan3A_15, %dma_wait3A_80] : memref<79x128xi32, #tpu.memory_space<vmem>> -> memref<1x32xi32, #tpu.memory_space<vmem>>
      %dma_wait3A_82 = tpu.memref_squeeze %dma_wait3A_81 : memref<1x32xi32, #tpu.memory_space<vmem>> -> memref<32xi32, #tpu.memory_space<vmem>>
      %dma_wait3A_83 = arith.constant 0 : i32
      %dma_wait3A_84 = arith.constant 0 : i32
      %dma_wait3A_85 = tpu.memref_slice %arg2[%dma_wait3A_83, %dma_wait3A_84] : memref<10112x128xf32, #tpu.memory_space<hbm>> -> memref<10112x128xf32, #tpu.memory_space<hbm>>
      tpu.wait_indirect_dma semaphore(%arg13 : memref<!tpu.dma_semaphore, #tpu.memory_space<semaphore_mem>>) src(%dma_wait3A_85 : memref<10112x128xf32, #tpu.memory_space<hbm>>) dst(%dma_wait3A_79 : memref<32x128xf32, #tpu.memory_space<vmem>>)
      "tpu.region"() ({
        %run_scoped3A = tpu.sem_alloc : memref<!tpu.dma_semaphore, #tpu.memory_space<semaphore_mem>>
        %dma_start3A_86 = arith.constant 0 : i32
        %dma_start3A_87 = tpu.memref_slice %arg7[%scan3A_15, %dma_start3A_86] : memref<79x128xi32, #tpu.memory_space<vmem>> -> memref<1x128xi32, #tpu.memory_space<vmem>>
        %dma_start3A_88 = tpu.memref_squeeze %dma_start3A_87 : memref<1x128xi32, #tpu.memory_space<vmem>> -> memref<128xi32, #tpu.memory_space<vmem>>
        %dma_start3A_89 = arith.constant 0 : i32
        %dma_start3A_90 = arith.constant 0 : i32
        %dma_start3A_91 = tpu.memref_slice %arg9[%dma_start3A_89, %dma_start3A_90] : memref<10112x128xf32, #tpu.memory_space<vmem_shared>> -> memref<10112x128xf32, #tpu.memory_space<vmem_shared>>
        tpu.enqueue_indirect_dma source(%arg8 : memref<128x128xf32, #tpu.memory_space<vmem>>) target(%dma_start3A_91 : memref<10112x128xf32, #tpu.memory_space<vmem_shared>>) offsets(%dma_start3A_88 : memref<128xi32, #tpu.memory_space<vmem>>) semaphore(%run_scoped3A : memref<!tpu.dma_semaphore, #tpu.memory_space<semaphore_mem>>) {add = true}
        %dma_wait3A_92 = arith.constant 0 : i32
        %dma_wait3A_93 = tpu.memref_slice %arg7[%scan3A_15, %dma_wait3A_92] : memref<79x128xi32, #tpu.memory_space<vmem>> -> memref<1x128xi32, #tpu.memory_space<vmem>>
        %dma_wait3A_94 = tpu.memref_squeeze %dma_wait3A_93 : memref<1x128xi32, #tpu.memory_space<vmem>> -> memref<128xi32, #tpu.memory_space<vmem>>
        %dma_wait3A_95 = arith.constant 0 : i32
        %dma_wait3A_96 = arith.constant 0 : i32
        %dma_wait3A_97 = tpu.memref_slice %arg9[%dma_wait3A_95, %dma_wait3A_96] : memref<10112x128xf32, #tpu.memory_space<vmem_shared>> -> memref<10112x128xf32, #tpu.memory_space<vmem_shared>>
        tpu.wait_indirect_dma semaphore(%run_scoped3A : memref<!tpu.dma_semaphore, #tpu.memory_space<semaphore_mem>>) src(%arg8 : memref<128x128xf32, #tpu.memory_space<vmem>>) dst(%dma_wait3A_97 : memref<10112x128xf32, #tpu.memory_space<vmem_shared>>)
        tpu.yield
      }) : () -> ()
    }
    %scan3A_9 = arith.constant 79 : i32
    %barrier3A_10 = arith.constant 0 : index
    tpu.barrier barrier_id(%barrier3A_10)
    %mul3A_11 = arith.constant 632 : i32
    %mul3A_12 = arith.muli %arg1, %mul3A_11 : i32
    %mul3A_13 = arith.constant 632 : i32
    %mul3A_14 = arith.muli %arg1, %mul3A_13 : i32
    "tpu.region"() ({
      %run_scoped3A = tpu.sem_alloc : memref<!tpu.dma_semaphore, #tpu.memory_space<semaphore_mem>>
      %dma_start3A = arith.constant 0 : i32
      %dma_start3A_15 = tpu.memref_slice %arg5[%arg0, %mul3A_14, %dma_start3A] : memref<2x10112x128xf32, #tpu.memory_space<hbm>> -> memref<1x632x128xf32, #tpu.memory_space<hbm>>
      %dma_start3A_16 = tpu.memref_squeeze %dma_start3A_15 : memref<1x632x128xf32, #tpu.memory_space<hbm>> -> memref<632x128xf32, #tpu.memory_space<hbm>>
      %dma_start3A_17 = arith.constant 0 : i32
      %dma_start3A_18 = tpu.memref_slice %arg9[%mul3A_12, %dma_start3A_17] : memref<10112x128xf32, #tpu.memory_space<vmem_shared>> -> memref<632x128xf32, #tpu.memory_space<vmem_shared>>
      tpu.enqueue_dma source(%dma_start3A_18 : memref<632x128xf32, #tpu.memory_space<vmem_shared>>) target(%dma_start3A_16 : memref<632x128xf32, #tpu.memory_space<hbm>>) target_semaphore(%run_scoped3A : memref<!tpu.dma_semaphore, #tpu.memory_space<semaphore_mem>>)
      %dma_wait3A = arith.constant 0 : i32
      %dma_wait3A_19 = tpu.memref_slice %arg5[%arg0, %mul3A_14, %dma_wait3A] : memref<2x10112x128xf32, #tpu.memory_space<hbm>> -> memref<1x632x128xf32, #tpu.memory_space<hbm>>
      %dma_wait3A_20 = tpu.memref_squeeze %dma_wait3A_19 : memref<1x632x128xf32, #tpu.memory_space<hbm>> -> memref<632x128xf32, #tpu.memory_space<hbm>>
      %dma_wait3A_21 = arith.constant 0 : i32
      %dma_wait3A_22 = tpu.memref_slice %arg9[%mul3A_12, %dma_wait3A_21] : memref<10112x128xf32, #tpu.memory_space<vmem_shared>> -> memref<632x128xf32, #tpu.memory_space<vmem_shared>>
      tpu.wait_dma2 semaphore(%run_scoped3A : memref<!tpu.dma_semaphore, #tpu.memory_space<semaphore_mem>>) src(%dma_wait3A_22 : memref<632x128xf32, #tpu.memory_space<vmem_shared>>) dst(%dma_wait3A_20 : memref<632x128xf32, #tpu.memory_space<hbm>>)
      tpu.yield
    }) : () -> ()
    return
  }
}

#map = affine_map<(d0, d1) -> (0, 0, 0)>
#map1 = affine_map<(d0, d1) -> (0, 0)>
module attributes {stable_mosaic.version = 14 : i64} {
  func.func @_deg(%arg0: i32, %arg1: i32, %arg2: memref<32x79x128xi32, #tpu.memory_space<hbm>>, %arg3: memref<10112x128xf32, #tpu.memory_space<hbm>>, %arg4: memref<2x10112x128xf32, #tpu.memory_space<hbm>>, %arg5: memref<79x128xi32, #tpu.memory_space<vmem>>, %arg6: memref<128x128xf32, #tpu.memory_space<vmem>>, %arg7: memref<10112x128xf32, #tpu.memory_space<vmem_shared>>) attributes {dimension_semantics = [#tpu.dimension_semantics<core_parallel>, #tpu.dimension_semantics<subcore_parallel>], iteration_bounds = array<i64: 2, 16>, scalar_prefetch = 0 : i64, scratch_operands = 3 : i64, tpu.core_type = #tpu.core_type<sc_vector_subcore>, window_params = [{transform_indices = #map}, {transform_indices = #map1}, {transform_indices = #map}]} {
    %mul3A = arith.constant 2 : i32
    %mul3A_0 = arith.muli %arg1, %mul3A : i32
    %add3A = arith.addi %mul3A_0, %arg0 : i32
    "tpu.region"() ({
      %run_scoped3A = tpu.sem_alloc : memref<!tpu.dma_semaphore, #tpu.memory_space<semaphore_mem>>
      %dma_start3A = arith.constant 0 : i32
      %dma_start3A_15 = arith.constant 0 : i32
      %dma_start3A_16 = tpu.memref_slice %arg2[%add3A, %dma_start3A, %dma_start3A_15] : memref<32x79x128xi32, #tpu.memory_space<hbm>> -> memref<1x79x128xi32, #tpu.memory_space<hbm>>
      %dma_start3A_17 = tpu.memref_squeeze %dma_start3A_16 : memref<1x79x128xi32, #tpu.memory_space<hbm>> -> memref<79x128xi32, #tpu.memory_space<hbm>>
      %dma_start3A_18 = arith.constant 0 : i32
      %dma_start3A_19 = arith.constant 0 : i32
      %dma_start3A_20 = tpu.memref_slice %arg2[%add3A, %dma_start3A_18, %dma_start3A_19] : memref<32x79x128xi32, #tpu.memory_space<hbm>> -> memref<1x79x128xi32, #tpu.memory_space<hbm>>
      %dma_start3A_21 = tpu.memref_squeeze %dma_start3A_20 : memref<1x79x128xi32, #tpu.memory_space<hbm>> -> memref<79x128xi32, #tpu.memory_space<hbm>>
      tpu.enqueue_dma source(%dma_start3A_21 : memref<79x128xi32, #tpu.memory_space<hbm>>) target(%arg5 : memref<79x128xi32, #tpu.memory_space<vmem>>) target_semaphore(%run_scoped3A : memref<!tpu.dma_semaphore, #tpu.memory_space<semaphore_mem>>)
      %dma_wait3A = arith.constant 0 : i32
      %dma_wait3A_22 = arith.constant 0 : i32
      %dma_wait3A_23 = tpu.memref_slice %arg2[%add3A, %dma_wait3A, %dma_wait3A_22] : memref<32x79x128xi32, #tpu.memory_space<hbm>> -> memref<1x79x128xi32, #tpu.memory_space<hbm>>
      %dma_wait3A_24 = tpu.memref_squeeze %dma_wait3A_23 : memref<1x79x128xi32, #tpu.memory_space<hbm>> -> memref<79x128xi32, #tpu.memory_space<hbm>>
      %dma_wait3A_25 = arith.constant 0 : i32
      %dma_wait3A_26 = arith.constant 0 : i32
      %dma_wait3A_27 = tpu.memref_slice %arg2[%add3A, %dma_wait3A_25, %dma_wait3A_26] : memref<32x79x128xi32, #tpu.memory_space<hbm>> -> memref<1x79x128xi32, #tpu.memory_space<hbm>>
      %dma_wait3A_28 = tpu.memref_squeeze %dma_wait3A_27 : memref<1x79x128xi32, #tpu.memory_space<hbm>> -> memref<79x128xi32, #tpu.memory_space<hbm>>
      tpu.wait_dma2 semaphore(%run_scoped3A : memref<!tpu.dma_semaphore, #tpu.memory_space<semaphore_mem>>) src(%dma_wait3A_28 : memref<79x128xi32, #tpu.memory_space<hbm>>) dst(%arg5 : memref<79x128xi32, #tpu.memory_space<vmem>>)
      tpu.yield
    }) : () -> ()
    "tpu.region"() ({
      %run_scoped3A = tpu.sem_alloc : memref<!tpu.dma_semaphore, #tpu.memory_space<semaphore_mem>>
      %dma_start3A = arith.constant 0 : i32
      %dma_start3A_15 = arith.constant 0 : i32
      %dma_start3A_16 = tpu.memref_slice %arg3[%dma_start3A, %dma_start3A_15] : memref<10112x128xf32, #tpu.memory_space<hbm>> -> memref<128x128xf32, #tpu.memory_space<hbm>>
      %dma_start3A_17 = arith.constant 0 : i32
      %dma_start3A_18 = arith.constant 0 : i32
      %dma_start3A_19 = tpu.memref_slice %arg3[%dma_start3A_17, %dma_start3A_18] : memref<10112x128xf32, #tpu.memory_space<hbm>> -> memref<128x128xf32, #tpu.memory_space<hbm>>
      tpu.enqueue_dma source(%dma_start3A_19 : memref<128x128xf32, #tpu.memory_space<hbm>>) target(%arg6 : memref<128x128xf32, #tpu.memory_space<vmem>>) target_semaphore(%run_scoped3A : memref<!tpu.dma_semaphore, #tpu.memory_space<semaphore_mem>>)
      %dma_wait3A = arith.constant 0 : i32
      %dma_wait3A_20 = arith.constant 0 : i32
      %dma_wait3A_21 = tpu.memref_slice %arg3[%dma_wait3A, %dma_wait3A_20] : memref<10112x128xf32, #tpu.memory_space<hbm>> -> memref<128x128xf32, #tpu.memory_space<hbm>>
      %dma_wait3A_22 = arith.constant 0 : i32
      %dma_wait3A_23 = arith.constant 0 : i32
      %dma_wait3A_24 = tpu.memref_slice %arg3[%dma_wait3A_22, %dma_wait3A_23] : memref<10112x128xf32, #tpu.memory_space<hbm>> -> memref<128x128xf32, #tpu.memory_space<hbm>>
      tpu.wait_dma2 semaphore(%run_scoped3A : memref<!tpu.dma_semaphore, #tpu.memory_space<semaphore_mem>>) src(%dma_wait3A_24 : memref<128x128xf32, #tpu.memory_space<hbm>>) dst(%arg6 : memref<128x128xf32, #tpu.memory_space<vmem>>)
      tpu.yield
    }) : () -> ()
    %mul3A_1 = arith.constant 632 : i32
    %mul3A_2 = arith.muli %arg1, %mul3A_1 : i32
    %mul3A_3 = arith.constant 632 : i32
    %mul3A_4 = arith.muli %arg1, %mul3A_3 : i32
    "tpu.region"() ({
      %run_scoped3A = tpu.sem_alloc : memref<!tpu.dma_semaphore, #tpu.memory_space<semaphore_mem>>
      %dma_start3A = arith.constant 0 : i32
      %dma_start3A_15 = tpu.memref_slice %arg7[%mul3A_4, %dma_start3A] : memref<10112x128xf32, #tpu.memory_space<vmem_shared>> -> memref<632x128xf32, #tpu.memory_space<vmem_shared>>
      %dma_start3A_16 = arith.constant 0 : i32
      %dma_start3A_17 = tpu.memref_slice %arg3[%mul3A_2, %dma_start3A_16] : memref<10112x128xf32, #tpu.memory_space<hbm>> -> memref<632x128xf32, #tpu.memory_space<hbm>>
      tpu.enqueue_dma source(%dma_start3A_17 : memref<632x128xf32, #tpu.memory_space<hbm>>) target(%dma_start3A_15 : memref<632x128xf32, #tpu.memory_space<vmem_shared>>) target_semaphore(%run_scoped3A : memref<!tpu.dma_semaphore, #tpu.memory_space<semaphore_mem>>)
      %dma_wait3A = arith.constant 0 : i32
      %dma_wait3A_18 = tpu.memref_slice %arg7[%mul3A_4, %dma_wait3A] : memref<10112x128xf32, #tpu.memory_space<vmem_shared>> -> memref<632x128xf32, #tpu.memory_space<vmem_shared>>
      %dma_wait3A_19 = arith.constant 0 : i32
      %dma_wait3A_20 = tpu.memref_slice %arg3[%mul3A_2, %dma_wait3A_19] : memref<10112x128xf32, #tpu.memory_space<hbm>> -> memref<632x128xf32, #tpu.memory_space<hbm>>
      tpu.wait_dma2 semaphore(%run_scoped3A : memref<!tpu.dma_semaphore, #tpu.memory_space<semaphore_mem>>) src(%dma_wait3A_20 : memref<632x128xf32, #tpu.memory_space<hbm>>) dst(%dma_wait3A_18 : memref<632x128xf32, #tpu.memory_space<vmem_shared>>)
      tpu.yield
    }) : () -> ()
    %barrier3A = arith.constant 0 : index
    tpu.barrier barrier_id(%barrier3A)
    %scan3A = arith.constant 0 : i32
    %scan3A_5 = arith.constant 0 : i32
    %scan3A_6 = arith.constant 79 : i32
    %scan3A_7 = arith.addi %scan3A_5, %scan3A_6 : i32
    %scan3A_8 = arith.constant 1 : i32
    scf.for %scan3A_15 = %scan3A_5 to %scan3A_7 step %scan3A_8  : i32 {
      "tpu.region"() ({
        %run_scoped3A = tpu.sem_alloc : memref<!tpu.dma_semaphore, #tpu.memory_space<semaphore_mem>>
        %dma_start3A = arith.constant 0 : i32
        %dma_start3A_16 = tpu.memref_slice %arg5[%scan3A_15, %dma_start3A] : memref<79x128xi32, #tpu.memory_space<vmem>> -> memref<1x128xi32, #tpu.memory_space<vmem>>
        %dma_start3A_17 = tpu.memref_squeeze %dma_start3A_16 : memref<1x128xi32, #tpu.memory_space<vmem>> -> memref<128xi32, #tpu.memory_space<vmem>>
        %dma_start3A_18 = arith.constant 0 : i32
        %dma_start3A_19 = arith.constant 0 : i32
        %dma_start3A_20 = tpu.memref_slice %arg7[%dma_start3A_18, %dma_start3A_19] : memref<10112x128xf32, #tpu.memory_space<vmem_shared>> -> memref<10112x128xf32, #tpu.memory_space<vmem_shared>>
        tpu.enqueue_indirect_dma source(%arg6 : memref<128x128xf32, #tpu.memory_space<vmem>>) target(%dma_start3A_20 : memref<10112x128xf32, #tpu.memory_space<vmem_shared>>) offsets(%dma_start3A_17 : memref<128xi32, #tpu.memory_space<vmem>>) semaphore(%run_scoped3A : memref<!tpu.dma_semaphore, #tpu.memory_space<semaphore_mem>>) {add = true}
        %dma_wait3A = arith.constant 0 : i32
        %dma_wait3A_21 = tpu.memref_slice %arg5[%scan3A_15, %dma_wait3A] : memref<79x128xi32, #tpu.memory_space<vmem>> -> memref<1x128xi32, #tpu.memory_space<vmem>>
        %dma_wait3A_22 = tpu.memref_squeeze %dma_wait3A_21 : memref<1x128xi32, #tpu.memory_space<vmem>> -> memref<128xi32, #tpu.memory_space<vmem>>
        %dma_wait3A_23 = arith.constant 0 : i32
        %dma_wait3A_24 = arith.constant 0 : i32
        %dma_wait3A_25 = tpu.memref_slice %arg7[%dma_wait3A_23, %dma_wait3A_24] : memref<10112x128xf32, #tpu.memory_space<vmem_shared>> -> memref<10112x128xf32, #tpu.memory_space<vmem_shared>>
        tpu.wait_indirect_dma semaphore(%run_scoped3A : memref<!tpu.dma_semaphore, #tpu.memory_space<semaphore_mem>>) src(%arg6 : memref<128x128xf32, #tpu.memory_space<vmem>>) dst(%dma_wait3A_25 : memref<10112x128xf32, #tpu.memory_space<vmem_shared>>)
        tpu.yield
      }) : () -> ()
    }
    %scan3A_9 = arith.constant 79 : i32
    %barrier3A_10 = arith.constant 0 : index
    tpu.barrier barrier_id(%barrier3A_10)
    %mul3A_11 = arith.constant 632 : i32
    %mul3A_12 = arith.muli %arg1, %mul3A_11 : i32
    %mul3A_13 = arith.constant 632 : i32
    %mul3A_14 = arith.muli %arg1, %mul3A_13 : i32
    "tpu.region"() ({
      %run_scoped3A = tpu.sem_alloc : memref<!tpu.dma_semaphore, #tpu.memory_space<semaphore_mem>>
      %dma_start3A = arith.constant 0 : i32
      %dma_start3A_15 = tpu.memref_slice %arg4[%arg0, %mul3A_14, %dma_start3A] : memref<2x10112x128xf32, #tpu.memory_space<hbm>> -> memref<1x632x128xf32, #tpu.memory_space<hbm>>
      %dma_start3A_16 = tpu.memref_squeeze %dma_start3A_15 : memref<1x632x128xf32, #tpu.memory_space<hbm>> -> memref<632x128xf32, #tpu.memory_space<hbm>>
      %dma_start3A_17 = arith.constant 0 : i32
      %dma_start3A_18 = tpu.memref_slice %arg7[%mul3A_12, %dma_start3A_17] : memref<10112x128xf32, #tpu.memory_space<vmem_shared>> -> memref<632x128xf32, #tpu.memory_space<vmem_shared>>
      tpu.enqueue_dma source(%dma_start3A_18 : memref<632x128xf32, #tpu.memory_space<vmem_shared>>) target(%dma_start3A_16 : memref<632x128xf32, #tpu.memory_space<hbm>>) target_semaphore(%run_scoped3A : memref<!tpu.dma_semaphore, #tpu.memory_space<semaphore_mem>>)
      %dma_wait3A = arith.constant 0 : i32
      %dma_wait3A_19 = tpu.memref_slice %arg4[%arg0, %mul3A_14, %dma_wait3A] : memref<2x10112x128xf32, #tpu.memory_space<hbm>> -> memref<1x632x128xf32, #tpu.memory_space<hbm>>
      %dma_wait3A_20 = tpu.memref_squeeze %dma_wait3A_19 : memref<1x632x128xf32, #tpu.memory_space<hbm>> -> memref<632x128xf32, #tpu.memory_space<hbm>>
      %dma_wait3A_21 = arith.constant 0 : i32
      %dma_wait3A_22 = tpu.memref_slice %arg7[%mul3A_12, %dma_wait3A_21] : memref<10112x128xf32, #tpu.memory_space<vmem_shared>> -> memref<632x128xf32, #tpu.memory_space<vmem_shared>>
      tpu.wait_dma2 semaphore(%run_scoped3A : memref<!tpu.dma_semaphore, #tpu.memory_space<semaphore_mem>>) src(%dma_wait3A_22 : memref<632x128xf32, #tpu.memory_space<vmem_shared>>) dst(%dma_wait3A_20 : memref<632x128xf32, #tpu.memory_space<hbm>>)
      tpu.yield
    }) : () -> ()
    return
  }
}

#map = affine_map<(d0, d1) -> (0, 0)>
#map1 = affine_map<(d0, d1) -> (0, 0, 0)>
module attributes {stable_mosaic.version = 14 : i64} {
  func.func @agg(%arg0: i32, %arg1: i32, %arg2: memref<10112x128xf32, #tpu.memory_space<hbm>>, %arg3: memref<32x79x128xi32, #tpu.memory_space<hbm>>, %arg4: memref<32x79x128xi32, #tpu.memory_space<hbm>>, %arg5: memref<2x10112x128xf32, #tpu.memory_space<hbm>>, %arg6: memref<79x128xi32, #tpu.memory_space<vmem>>, %arg7: memref<79x128xi32, #tpu.memory_space<vmem>>, %arg8: memref<128x128xf32, #tpu.memory_space<vmem>>, %arg9: memref<10112x128xf32, #tpu.memory_space<vmem_shared>>, %arg10: memref<!tpu.dma_semaphore, #tpu.memory_space<semaphore_mem>>, %arg11: memref<!tpu.dma_semaphore, #tpu.memory_space<semaphore_mem>>, %arg12: memref<!tpu.dma_semaphore, #tpu.memory_space<semaphore_mem>>, %arg13: memref<!tpu.dma_semaphore, #tpu.memory_space<semaphore_mem>>) attributes {dimension_semantics = [#tpu.dimension_semantics<core_parallel>, #tpu.dimension_semantics<subcore_parallel>], iteration_bounds = array<i64: 2, 16>, scalar_prefetch = 0 : i64, scratch_operands = 8 : i64, tpu.core_type = #tpu.core_type<sc_vector_subcore>, window_params = [{transform_indices = #map}, {transform_indices = #map1}, {transform_indices = #map1}, {transform_indices = #map1}]} {
    %mul3A = arith.constant 2 : i32
    %mul3A_0 = arith.muli %arg1, %mul3A : i32
    %add3A = arith.addi %mul3A_0, %arg0 : i32
    %mul3A_1 = arith.constant 632 : i32
    %mul3A_2 = arith.muli %arg1, %mul3A_1 : i32
    %mul3A_3 = arith.constant 632 : i32
    %mul3A_4 = arith.muli %arg1, %mul3A_3 : i32
    "tpu.region"() ({
      %run_scoped3A = tpu.sem_alloc : memref<!tpu.dma_semaphore, #tpu.memory_space<semaphore_mem>>
      %dma_start3A = arith.constant 0 : i32
      %dma_start3A_15 = tpu.memref_slice %arg9[%mul3A_4, %dma_start3A] : memref<10112x128xf32, #tpu.memory_space<vmem_shared>> -> memref<632x128xf32, #tpu.memory_space<vmem_shared>>
      %dma_start3A_16 = arith.constant 0 : i32
      %dma_start3A_17 = tpu.memref_slice %arg2[%mul3A_2, %dma_start3A_16] : memref<10112x128xf32, #tpu.memory_space<hbm>> -> memref<632x128xf32, #tpu.memory_space<hbm>>
      tpu.enqueue_dma source(%dma_start3A_17 : memref<632x128xf32, #tpu.memory_space<hbm>>) target(%dma_start3A_15 : memref<632x128xf32, #tpu.memory_space<vmem_shared>>) target_semaphore(%run_scoped3A : memref<!tpu.dma_semaphore, #tpu.memory_space<semaphore_mem>>)
      %dma_wait3A = arith.constant 0 : i32
      %dma_wait3A_18 = tpu.memref_slice %arg9[%mul3A_4, %dma_wait3A] : memref<10112x128xf32, #tpu.memory_space<vmem_shared>> -> memref<632x128xf32, #tpu.memory_space<vmem_shared>>
      %dma_wait3A_19 = arith.constant 0 : i32
      %dma_wait3A_20 = tpu.memref_slice %arg2[%mul3A_2, %dma_wait3A_19] : memref<10112x128xf32, #tpu.memory_space<hbm>> -> memref<632x128xf32, #tpu.memory_space<hbm>>
      tpu.wait_dma2 semaphore(%run_scoped3A : memref<!tpu.dma_semaphore, #tpu.memory_space<semaphore_mem>>) src(%dma_wait3A_20 : memref<632x128xf32, #tpu.memory_space<hbm>>) dst(%dma_wait3A_18 : memref<632x128xf32, #tpu.memory_space<vmem_shared>>)
      tpu.yield
    }) : () -> ()
    %barrier3A = arith.constant 0 : index
    tpu.barrier barrier_id(%barrier3A)
    "tpu.region"() ({
      %run_scoped3A = tpu.sem_alloc : memref<!tpu.dma_semaphore, #tpu.memory_space<semaphore_mem>>
      %dma_start3A = arith.constant 0 : i32
      %dma_start3A_15 = arith.constant 0 : i32
      %dma_start3A_16 = tpu.memref_slice %arg3[%add3A, %dma_start3A, %dma_start3A_15] : memref<32x79x128xi32, #tpu.memory_space<hbm>> -> memref<1x79x128xi32, #tpu.memory_space<hbm>>
      %dma_start3A_17 = tpu.memref_squeeze %dma_start3A_16 : memref<1x79x128xi32, #tpu.memory_space<hbm>> -> memref<79x128xi32, #tpu.memory_space<hbm>>
      %dma_start3A_18 = arith.constant 0 : i32
      %dma_start3A_19 = arith.constant 0 : i32
      %dma_start3A_20 = tpu.memref_slice %arg3[%add3A, %dma_start3A_18, %dma_start3A_19] : memref<32x79x128xi32, #tpu.memory_space<hbm>> -> memref<1x79x128xi32, #tpu.memory_space<hbm>>
      %dma_start3A_21 = tpu.memref_squeeze %dma_start3A_20 : memref<1x79x128xi32, #tpu.memory_space<hbm>> -> memref<79x128xi32, #tpu.memory_space<hbm>>
      tpu.enqueue_dma source(%dma_start3A_21 : memref<79x128xi32, #tpu.memory_space<hbm>>) target(%arg6 : memref<79x128xi32, #tpu.memory_space<vmem>>) target_semaphore(%run_scoped3A : memref<!tpu.dma_semaphore, #tpu.memory_space<semaphore_mem>>)
      %dma_wait3A = arith.constant 0 : i32
      %dma_wait3A_22 = arith.constant 0 : i32
      %dma_wait3A_23 = tpu.memref_slice %arg3[%add3A, %dma_wait3A, %dma_wait3A_22] : memref<32x79x128xi32, #tpu.memory_space<hbm>> -> memref<1x79x128xi32, #tpu.memory_space<hbm>>
      %dma_wait3A_24 = tpu.memref_squeeze %dma_wait3A_23 : memref<1x79x128xi32, #tpu.memory_space<hbm>> -> memref<79x128xi32, #tpu.memory_space<hbm>>
      %dma_wait3A_25 = arith.constant 0 : i32
      %dma_wait3A_26 = arith.constant 0 : i32
      %dma_wait3A_27 = tpu.memref_slice %arg3[%add3A, %dma_wait3A_25, %dma_wait3A_26] : memref<32x79x128xi32, #tpu.memory_space<hbm>> -> memref<1x79x128xi32, #tpu.memory_space<hbm>>
      %dma_wait3A_28 = tpu.memref_squeeze %dma_wait3A_27 : memref<1x79x128xi32, #tpu.memory_space<hbm>> -> memref<79x128xi32, #tpu.memory_space<hbm>>
      tpu.wait_dma2 semaphore(%run_scoped3A : memref<!tpu.dma_semaphore, #tpu.memory_space<semaphore_mem>>) src(%dma_wait3A_28 : memref<79x128xi32, #tpu.memory_space<hbm>>) dst(%arg6 : memref<79x128xi32, #tpu.memory_space<vmem>>)
      tpu.yield
    }) : () -> ()
    "tpu.region"() ({
      %run_scoped3A = tpu.sem_alloc : memref<!tpu.dma_semaphore, #tpu.memory_space<semaphore_mem>>
      %dma_start3A = arith.constant 0 : i32
      %dma_start3A_15 = arith.constant 0 : i32
      %dma_start3A_16 = tpu.memref_slice %arg4[%add3A, %dma_start3A, %dma_start3A_15] : memref<32x79x128xi32, #tpu.memory_space<hbm>> -> memref<1x79x128xi32, #tpu.memory_space<hbm>>
      %dma_start3A_17 = tpu.memref_squeeze %dma_start3A_16 : memref<1x79x128xi32, #tpu.memory_space<hbm>> -> memref<79x128xi32, #tpu.memory_space<hbm>>
      %dma_start3A_18 = arith.constant 0 : i32
      %dma_start3A_19 = arith.constant 0 : i32
      %dma_start3A_20 = tpu.memref_slice %arg4[%add3A, %dma_start3A_18, %dma_start3A_19] : memref<32x79x128xi32, #tpu.memory_space<hbm>> -> memref<1x79x128xi32, #tpu.memory_space<hbm>>
      %dma_start3A_21 = tpu.memref_squeeze %dma_start3A_20 : memref<1x79x128xi32, #tpu.memory_space<hbm>> -> memref<79x128xi32, #tpu.memory_space<hbm>>
      tpu.enqueue_dma source(%dma_start3A_21 : memref<79x128xi32, #tpu.memory_space<hbm>>) target(%arg7 : memref<79x128xi32, #tpu.memory_space<vmem>>) target_semaphore(%run_scoped3A : memref<!tpu.dma_semaphore, #tpu.memory_space<semaphore_mem>>)
      %dma_wait3A = arith.constant 0 : i32
      %dma_wait3A_22 = arith.constant 0 : i32
      %dma_wait3A_23 = tpu.memref_slice %arg4[%add3A, %dma_wait3A, %dma_wait3A_22] : memref<32x79x128xi32, #tpu.memory_space<hbm>> -> memref<1x79x128xi32, #tpu.memory_space<hbm>>
      %dma_wait3A_24 = tpu.memref_squeeze %dma_wait3A_23 : memref<1x79x128xi32, #tpu.memory_space<hbm>> -> memref<79x128xi32, #tpu.memory_space<hbm>>
      %dma_wait3A_25 = arith.constant 0 : i32
      %dma_wait3A_26 = arith.constant 0 : i32
      %dma_wait3A_27 = tpu.memref_slice %arg4[%add3A, %dma_wait3A_25, %dma_wait3A_26] : memref<32x79x128xi32, #tpu.memory_space<hbm>> -> memref<1x79x128xi32, #tpu.memory_space<hbm>>
      %dma_wait3A_28 = tpu.memref_squeeze %dma_wait3A_27 : memref<1x79x128xi32, #tpu.memory_space<hbm>> -> memref<79x128xi32, #tpu.memory_space<hbm>>
      tpu.wait_dma2 semaphore(%run_scoped3A : memref<!tpu.dma_semaphore, #tpu.memory_space<semaphore_mem>>) src(%dma_wait3A_28 : memref<79x128xi32, #tpu.memory_space<hbm>>) dst(%arg7 : memref<79x128xi32, #tpu.memory_space<vmem>>)
      tpu.yield
    }) : () -> ()
    %scan3A = arith.constant 0 : i32
    %scan3A_5 = arith.constant 0 : i32
    %scan3A_6 = arith.constant 79 : i32
    %scan3A_7 = arith.addi %scan3A_5, %scan3A_6 : i32
    %scan3A_8 = arith.constant 1 : i32
    scf.for %scan3A_15 = %scan3A_5 to %scan3A_7 step %scan3A_8  : i32 {
      %dma_start3A = arith.constant 0 : i32
      %dma_start3A_16 = arith.constant 0 : i32
      %dma_start3A_17 = tpu.memref_slice %arg8[%dma_start3A, %dma_start3A_16] : memref<128x128xf32, #tpu.memory_space<vmem>> -> memref<32x128xf32, #tpu.memory_space<vmem>>
      %dma_start3A_18 = arith.constant 0 : i32
      %dma_start3A_19 = tpu.memref_slice %arg6[%scan3A_15, %dma_start3A_18] : memref<79x128xi32, #tpu.memory_space<vmem>> -> memref<1x32xi32, #tpu.memory_space<vmem>>
      %dma_start3A_20 = tpu.memref_squeeze %dma_start3A_19 : memref<1x32xi32, #tpu.memory_space<vmem>> -> memref<32xi32, #tpu.memory_space<vmem>>
      %dma_start3A_21 = arith.constant 0 : i32
      %dma_start3A_22 = arith.constant 0 : i32
      %dma_start3A_23 = tpu.memref_slice %arg2[%dma_start3A_21, %dma_start3A_22] : memref<10112x128xf32, #tpu.memory_space<hbm>> -> memref<10112x128xf32, #tpu.memory_space<hbm>>
      tpu.enqueue_indirect_dma source(%dma_start3A_23 : memref<10112x128xf32, #tpu.memory_space<hbm>>) target(%dma_start3A_17 : memref<32x128xf32, #tpu.memory_space<vmem>>) offsets(%dma_start3A_20 : memref<32xi32, #tpu.memory_space<vmem>>) semaphore(%arg10 : memref<!tpu.dma_semaphore, #tpu.memory_space<semaphore_mem>>)
      %dma_start3A_24 = arith.constant 32 : i32
      %dma_start3A_25 = arith.constant 0 : i32
      %dma_start3A_26 = tpu.memref_slice %arg8[%dma_start3A_24, %dma_start3A_25] : memref<128x128xf32, #tpu.memory_space<vmem>> -> memref<32x128xf32, #tpu.memory_space<vmem>>
      %dma_start3A_27 = arith.constant 32 : i32
      %dma_start3A_28 = tpu.memref_slice %arg6[%scan3A_15, %dma_start3A_27] : memref<79x128xi32, #tpu.memory_space<vmem>> -> memref<1x32xi32, #tpu.memory_space<vmem>>
      %dma_start3A_29 = tpu.memref_squeeze %dma_start3A_28 : memref<1x32xi32, #tpu.memory_space<vmem>> -> memref<32xi32, #tpu.memory_space<vmem>>
      %dma_start3A_30 = arith.constant 0 : i32
      %dma_start3A_31 = arith.constant 0 : i32
      %dma_start3A_32 = tpu.memref_slice %arg2[%dma_start3A_30, %dma_start3A_31] : memref<10112x128xf32, #tpu.memory_space<hbm>> -> memref<10112x128xf32, #tpu.memory_space<hbm>>
      tpu.enqueue_indirect_dma source(%dma_start3A_32 : memref<10112x128xf32, #tpu.memory_space<hbm>>) target(%dma_start3A_26 : memref<32x128xf32, #tpu.memory_space<vmem>>) offsets(%dma_start3A_29 : memref<32xi32, #tpu.memory_space<vmem>>) semaphore(%arg11 : memref<!tpu.dma_semaphore, #tpu.memory_space<semaphore_mem>>)
      %dma_start3A_33 = arith.constant 64 : i32
      %dma_start3A_34 = arith.constant 0 : i32
      %dma_start3A_35 = tpu.memref_slice %arg8[%dma_start3A_33, %dma_start3A_34] : memref<128x128xf32, #tpu.memory_space<vmem>> -> memref<32x128xf32, #tpu.memory_space<vmem>>
      %dma_start3A_36 = arith.constant 64 : i32
      %dma_start3A_37 = tpu.memref_slice %arg6[%scan3A_15, %dma_start3A_36] : memref<79x128xi32, #tpu.memory_space<vmem>> -> memref<1x32xi32, #tpu.memory_space<vmem>>
      %dma_start3A_38 = tpu.memref_squeeze %dma_start3A_37 : memref<1x32xi32, #tpu.memory_space<vmem>> -> memref<32xi32, #tpu.memory_space<vmem>>
      %dma_start3A_39 = arith.constant 0 : i32
      %dma_start3A_40 = arith.constant 0 : i32
      %dma_start3A_41 = tpu.memref_slice %arg2[%dma_start3A_39, %dma_start3A_40] : memref<10112x128xf32, #tpu.memory_space<hbm>> -> memref<10112x128xf32, #tpu.memory_space<hbm>>
      tpu.enqueue_indirect_dma source(%dma_start3A_41 : memref<10112x128xf32, #tpu.memory_space<hbm>>) target(%dma_start3A_35 : memref<32x128xf32, #tpu.memory_space<vmem>>) offsets(%dma_start3A_38 : memref<32xi32, #tpu.memory_space<vmem>>) semaphore(%arg12 : memref<!tpu.dma_semaphore, #tpu.memory_space<semaphore_mem>>)
      %dma_start3A_42 = arith.constant 96 : i32
      %dma_start3A_43 = arith.constant 0 : i32
      %dma_start3A_44 = tpu.memref_slice %arg8[%dma_start3A_42, %dma_start3A_43] : memref<128x128xf32, #tpu.memory_space<vmem>> -> memref<32x128xf32, #tpu.memory_space<vmem>>
      %dma_start3A_45 = arith.constant 96 : i32
      %dma_start3A_46 = tpu.memref_slice %arg6[%scan3A_15, %dma_start3A_45] : memref<79x128xi32, #tpu.memory_space<vmem>> -> memref<1x32xi32, #tpu.memory_space<vmem>>
      %dma_start3A_47 = tpu.memref_squeeze %dma_start3A_46 : memref<1x32xi32, #tpu.memory_space<vmem>> -> memref<32xi32, #tpu.memory_space<vmem>>
      %dma_start3A_48 = arith.constant 0 : i32
      %dma_start3A_49 = arith.constant 0 : i32
      %dma_start3A_50 = tpu.memref_slice %arg2[%dma_start3A_48, %dma_start3A_49] : memref<10112x128xf32, #tpu.memory_space<hbm>> -> memref<10112x128xf32, #tpu.memory_space<hbm>>
      tpu.enqueue_indirect_dma source(%dma_start3A_50 : memref<10112x128xf32, #tpu.memory_space<hbm>>) target(%dma_start3A_44 : memref<32x128xf32, #tpu.memory_space<vmem>>) offsets(%dma_start3A_47 : memref<32xi32, #tpu.memory_space<vmem>>) semaphore(%arg13 : memref<!tpu.dma_semaphore, #tpu.memory_space<semaphore_mem>>)
      %dma_wait3A = arith.constant 0 : i32
      %dma_wait3A_51 = arith.constant 0 : i32
      %dma_wait3A_52 = tpu.memref_slice %arg8[%dma_wait3A, %dma_wait3A_51] : memref<128x128xf32, #tpu.memory_space<vmem>> -> memref<32x128xf32, #tpu.memory_space<vmem>>
      %dma_wait3A_53 = arith.constant 0 : i32
      %dma_wait3A_54 = tpu.memref_slice %arg6[%scan3A_15, %dma_wait3A_53] : memref<79x128xi32, #tpu.memory_space<vmem>> -> memref<1x32xi32, #tpu.memory_space<vmem>>
      %dma_wait3A_55 = tpu.memref_squeeze %dma_wait3A_54 : memref<1x32xi32, #tpu.memory_space<vmem>> -> memref<32xi32, #tpu.memory_space<vmem>>
      %dma_wait3A_56 = arith.constant 0 : i32
      %dma_wait3A_57 = arith.constant 0 : i32
      %dma_wait3A_58 = tpu.memref_slice %arg2[%dma_wait3A_56, %dma_wait3A_57] : memref<10112x128xf32, #tpu.memory_space<hbm>> -> memref<10112x128xf32, #tpu.memory_space<hbm>>
      tpu.wait_indirect_dma semaphore(%arg10 : memref<!tpu.dma_semaphore, #tpu.memory_space<semaphore_mem>>) src(%dma_wait3A_58 : memref<10112x128xf32, #tpu.memory_space<hbm>>) dst(%dma_wait3A_52 : memref<32x128xf32, #tpu.memory_space<vmem>>)
      %dma_wait3A_59 = arith.constant 32 : i32
      %dma_wait3A_60 = arith.constant 0 : i32
      %dma_wait3A_61 = tpu.memref_slice %arg8[%dma_wait3A_59, %dma_wait3A_60] : memref<128x128xf32, #tpu.memory_space<vmem>> -> memref<32x128xf32, #tpu.memory_space<vmem>>
      %dma_wait3A_62 = arith.constant 32 : i32
      %dma_wait3A_63 = tpu.memref_slice %arg6[%scan3A_15, %dma_wait3A_62] : memref<79x128xi32, #tpu.memory_space<vmem>> -> memref<1x32xi32, #tpu.memory_space<vmem>>
      %dma_wait3A_64 = tpu.memref_squeeze %dma_wait3A_63 : memref<1x32xi32, #tpu.memory_space<vmem>> -> memref<32xi32, #tpu.memory_space<vmem>>
      %dma_wait3A_65 = arith.constant 0 : i32
      %dma_wait3A_66 = arith.constant 0 : i32
      %dma_wait3A_67 = tpu.memref_slice %arg2[%dma_wait3A_65, %dma_wait3A_66] : memref<10112x128xf32, #tpu.memory_space<hbm>> -> memref<10112x128xf32, #tpu.memory_space<hbm>>
      tpu.wait_indirect_dma semaphore(%arg11 : memref<!tpu.dma_semaphore, #tpu.memory_space<semaphore_mem>>) src(%dma_wait3A_67 : memref<10112x128xf32, #tpu.memory_space<hbm>>) dst(%dma_wait3A_61 : memref<32x128xf32, #tpu.memory_space<vmem>>)
      %dma_wait3A_68 = arith.constant 64 : i32
      %dma_wait3A_69 = arith.constant 0 : i32
      %dma_wait3A_70 = tpu.memref_slice %arg8[%dma_wait3A_68, %dma_wait3A_69] : memref<128x128xf32, #tpu.memory_space<vmem>> -> memref<32x128xf32, #tpu.memory_space<vmem>>
      %dma_wait3A_71 = arith.constant 64 : i32
      %dma_wait3A_72 = tpu.memref_slice %arg6[%scan3A_15, %dma_wait3A_71] : memref<79x128xi32, #tpu.memory_space<vmem>> -> memref<1x32xi32, #tpu.memory_space<vmem>>
      %dma_wait3A_73 = tpu.memref_squeeze %dma_wait3A_72 : memref<1x32xi32, #tpu.memory_space<vmem>> -> memref<32xi32, #tpu.memory_space<vmem>>
      %dma_wait3A_74 = arith.constant 0 : i32
      %dma_wait3A_75 = arith.constant 0 : i32
      %dma_wait3A_76 = tpu.memref_slice %arg2[%dma_wait3A_74, %dma_wait3A_75] : memref<10112x128xf32, #tpu.memory_space<hbm>> -> memref<10112x128xf32, #tpu.memory_space<hbm>>
      tpu.wait_indirect_dma semaphore(%arg12 : memref<!tpu.dma_semaphore, #tpu.memory_space<semaphore_mem>>) src(%dma_wait3A_76 : memref<10112x128xf32, #tpu.memory_space<hbm>>) dst(%dma_wait3A_70 : memref<32x128xf32, #tpu.memory_space<vmem>>)
      %dma_wait3A_77 = arith.constant 96 : i32
      %dma_wait3A_78 = arith.constant 0 : i32
      %dma_wait3A_79 = tpu.memref_slice %arg8[%dma_wait3A_77, %dma_wait3A_78] : memref<128x128xf32, #tpu.memory_space<vmem>> -> memref<32x128xf32, #tpu.memory_space<vmem>>
      %dma_wait3A_80 = arith.constant 96 : i32
      %dma_wait3A_81 = tpu.memref_slice %arg6[%scan3A_15, %dma_wait3A_80] : memref<79x128xi32, #tpu.memory_space<vmem>> -> memref<1x32xi32, #tpu.memory_space<vmem>>
      %dma_wait3A_82 = tpu.memref_squeeze %dma_wait3A_81 : memref<1x32xi32, #tpu.memory_space<vmem>> -> memref<32xi32, #tpu.memory_space<vmem>>
      %dma_wait3A_83 = arith.constant 0 : i32
      %dma_wait3A_84 = arith.constant 0 : i32
      %dma_wait3A_85 = tpu.memref_slice %arg2[%dma_wait3A_83, %dma_wait3A_84] : memref<10112x128xf32, #tpu.memory_space<hbm>> -> memref<10112x128xf32, #tpu.memory_space<hbm>>
      tpu.wait_indirect_dma semaphore(%arg13 : memref<!tpu.dma_semaphore, #tpu.memory_space<semaphore_mem>>) src(%dma_wait3A_85 : memref<10112x128xf32, #tpu.memory_space<hbm>>) dst(%dma_wait3A_79 : memref<32x128xf32, #tpu.memory_space<vmem>>)
      "tpu.region"() ({
        %run_scoped3A = tpu.sem_alloc : memref<!tpu.dma_semaphore, #tpu.memory_space<semaphore_mem>>
        %dma_start3A_86 = arith.constant 0 : i32
        %dma_start3A_87 = tpu.memref_slice %arg7[%scan3A_15, %dma_start3A_86] : memref<79x128xi32, #tpu.memory_space<vmem>> -> memref<1x128xi32, #tpu.memory_space<vmem>>
        %dma_start3A_88 = tpu.memref_squeeze %dma_start3A_87 : memref<1x128xi32, #tpu.memory_space<vmem>> -> memref<128xi32, #tpu.memory_space<vmem>>
        %dma_start3A_89 = arith.constant 0 : i32
        %dma_start3A_90 = arith.constant 0 : i32
        %dma_start3A_91 = tpu.memref_slice %arg9[%dma_start3A_89, %dma_start3A_90] : memref<10112x128xf32, #tpu.memory_space<vmem_shared>> -> memref<10112x128xf32, #tpu.memory_space<vmem_shared>>
        tpu.enqueue_indirect_dma source(%arg8 : memref<128x128xf32, #tpu.memory_space<vmem>>) target(%dma_start3A_91 : memref<10112x128xf32, #tpu.memory_space<vmem_shared>>) offsets(%dma_start3A_88 : memref<128xi32, #tpu.memory_space<vmem>>) semaphore(%run_scoped3A : memref<!tpu.dma_semaphore, #tpu.memory_space<semaphore_mem>>) {add = true}
        %dma_wait3A_92 = arith.constant 0 : i32
        %dma_wait3A_93 = tpu.memref_slice %arg7[%scan3A_15, %dma_wait3A_92] : memref<79x128xi32, #tpu.memory_space<vmem>> -> memref<1x128xi32, #tpu.memory_space<vmem>>
        %dma_wait3A_94 = tpu.memref_squeeze %dma_wait3A_93 : memref<1x128xi32, #tpu.memory_space<vmem>> -> memref<128xi32, #tpu.memory_space<vmem>>
        %dma_wait3A_95 = arith.constant 0 : i32
        %dma_wait3A_96 = arith.constant 0 : i32
        %dma_wait3A_97 = tpu.memref_slice %arg9[%dma_wait3A_95, %dma_wait3A_96] : memref<10112x128xf32, #tpu.memory_space<vmem_shared>> -> memref<10112x128xf32, #tpu.memory_space<vmem_shared>>
        tpu.wait_indirect_dma semaphore(%run_scoped3A : memref<!tpu.dma_semaphore, #tpu.memory_space<semaphore_mem>>) src(%arg8 : memref<128x128xf32, #tpu.memory_space<vmem>>) dst(%dma_wait3A_97 : memref<10112x128xf32, #tpu.memory_space<vmem_shared>>)
        tpu.yield
      }) : () -> ()
    }
    %scan3A_9 = arith.constant 79 : i32
    %barrier3A_10 = arith.constant 0 : index
    tpu.barrier barrier_id(%barrier3A_10)
    %mul3A_11 = arith.constant 632 : i32
    %mul3A_12 = arith.muli %arg1, %mul3A_11 : i32
    %mul3A_13 = arith.constant 632 : i32
    %mul3A_14 = arith.muli %arg1, %mul3A_13 : i32
    "tpu.region"() ({
      %run_scoped3A = tpu.sem_alloc : memref<!tpu.dma_semaphore, #tpu.memory_space<semaphore_mem>>
      %dma_start3A = arith.constant 0 : i32
      %dma_start3A_15 = tpu.memref_slice %arg5[%arg0, %mul3A_14, %dma_start3A] : memref<2x10112x128xf32, #tpu.memory_space<hbm>> -> memref<1x632x128xf32, #tpu.memory_space<hbm>>
      %dma_start3A_16 = tpu.memref_squeeze %dma_start3A_15 : memref<1x632x128xf32, #tpu.memory_space<hbm>> -> memref<632x128xf32, #tpu.memory_space<hbm>>
      %dma_start3A_17 = arith.constant 0 : i32
      %dma_start3A_18 = tpu.memref_slice %arg9[%mul3A_12, %dma_start3A_17] : memref<10112x128xf32, #tpu.memory_space<vmem_shared>> -> memref<632x128xf32, #tpu.memory_space<vmem_shared>>
      tpu.enqueue_dma source(%dma_start3A_18 : memref<632x128xf32, #tpu.memory_space<vmem_shared>>) target(%dma_start3A_16 : memref<632x128xf32, #tpu.memory_space<hbm>>) target_semaphore(%run_scoped3A : memref<!tpu.dma_semaphore, #tpu.memory_space<semaphore_mem>>)
      %dma_wait3A = arith.constant 0 : i32
      %dma_wait3A_19 = tpu.memref_slice %arg5[%arg0, %mul3A_14, %dma_wait3A] : memref<2x10112x128xf32, #tpu.memory_space<hbm>> -> memref<1x632x128xf32, #tpu.memory_space<hbm>>
      %dma_wait3A_20 = tpu.memref_squeeze %dma_wait3A_19 : memref<1x632x128xf32, #tpu.memory_space<hbm>> -> memref<632x128xf32, #tpu.memory_space<hbm>>
      %dma_wait3A_21 = arith.constant 0 : i32
      %dma_wait3A_22 = tpu.memref_slice %arg9[%mul3A_12, %dma_wait3A_21] : memref<10112x128xf32, #tpu.memory_space<vmem_shared>> -> memref<632x128xf32, #tpu.memory_space<vmem_shared>>
      tpu.wait_dma2 semaphore(%run_scoped3A : memref<!tpu.dma_semaphore, #tpu.memory_space<semaphore_mem>>) src(%dma_wait3A_22 : memref<632x128xf32, #tpu.memory_space<vmem_shared>>) dst(%dma_wait3A_20 : memref<632x128xf32, #tpu.memory_space<hbm>>)
      tpu.yield
    }) : () -> ()
    return
  }
}

module attributes {stable_mosaic.version = 14 : i64} {
  func.func @body(%arg0: i32, %arg1: memref<2528x128xf32, #tpu.memory_space<vmem>>, %arg2: memref<128x128xf32, #tpu.memory_space<vmem>>, %arg3: memref<2x2528x128xf32, #tpu.memory_space<vmem>>, %arg4: memref<2528x128xf32, #tpu.memory_space<vmem>>, %arg5: memref<2528x1xf32, #tpu.memory_space<vmem>>) attributes {dimension_semantics = [#tpu.dimension_semantics<arbitrary>], iteration_bounds = array<i64: 4>, scalar_prefetch = 0 : i64, scratch_operands = 0 : i64, tpu.core_type = #tpu.core_type<tc>, window_params = [{transform_indices = @transform_0, window_bounds = array<i64: 2528, 128>}, {pipeline_mode = #tpu.pipeline_mode<synchronous>, transform_indices = @transform_1, window_bounds = array<i64: 128, 128>}, {transform_indices = @transform_2, window_bounds = array<i64: 2, 2528, 128>}, {transform_indices = @transform_3, window_bounds = array<i64: 2528, 128>}, {transform_indices = @transform_4, window_bounds = array<i64: 2528, 1>}]} {
    %get3A = arith.constant 0 : index
    %get3A_0 = arith.constant 0 : index
    %get3A_1 = arith.constant 0 : index
    %get3A_2 = vector.load %arg3[%get3A, %get3A_0, %get3A_1] : memref<2x2528x128xf32, #tpu.memory_space<vmem>>, vector<1x2528x128xf32>
    %get3A_3 = vector.shape_cast %get3A_2 : vector<1x2528x128xf32> to vector<2528x128xf32>
    %slice3A = vector.extract_strided_slice %get3A_3 {offsets = [0, 0], sizes = [2528, 1], strides = [1, 1]} : vector<2528x128xf32> to vector<2528x1xf32>
    %get3A_4 = arith.constant 1 : index
    %get3A_5 = arith.constant 0 : index
    %get3A_6 = arith.constant 0 : index
    %get3A_7 = vector.load %arg3[%get3A_4, %get3A_5, %get3A_6] : memref<2x2528x128xf32, #tpu.memory_space<vmem>>, vector<1x2528x128xf32>
    %get3A_8 = vector.shape_cast %get3A_7 : vector<1x2528x128xf32> to vector<2528x128xf32>
    %slice3A_9 = vector.extract_strided_slice %get3A_8 {offsets = [0, 0], sizes = [2528, 1], strides = [1, 1]} : vector<2528x128xf32> to vector<2528x1xf32>
    %add3A = arith.addf %slice3A, %slice3A_9 : vector<2528x1xf32>
    %sub3A = arith.constant 1.000000e+00 : f32
    %sub3A_10 = vector.broadcast %sub3A : f32 to vector<2528x1xf32>
    %sub3A_11 = arith.subf %add3A, %sub3A_10 : vector<2528x1xf32>
    %rsqrt3A = math.rsqrt %sub3A_11 : vector<2528x1xf32>
    %get3A_12 = arith.constant 0 : index
    %get3A_13 = arith.constant 0 : index
    %get3A_14 = vector.load %arg1[%get3A_12, %get3A_13] : memref<2528x128xf32, #tpu.memory_space<vmem>>, vector<2528x128xf32>
    %get3A_15 = arith.constant 0 : index
    %get3A_16 = arith.constant 0 : index
    %get3A_17 = vector.load %arg2[%get3A_15, %get3A_16] : memref<128x128xf32, #tpu.memory_space<vmem>>, vector<128x128xf32>
    %dot_general3A = arith.constant dense<0.000000e+00> : vector<2528x128xf32>
    %dot_general3A_18 = tpu.matmul %get3A_14, %get3A_17, %dot_general3A {dimension_numbers = #tpu.dot_dimension_numbers<[1], [0], [0], [1], [0, 0, 1, 1], [], []>, transpose_lhs_hint = false} : vector<2528x128xf32>, vector<128x128xf32>, vector<2528x128xf32> -> vector<2528x128xf32>
    %mul3A = vector.broadcast %rsqrt3A : vector<2528x1xf32> to vector<2528x128xf32>
    %mul3A_19 = arith.mulf %mul3A, %dot_general3A_18 : vector<2528x128xf32>
    %swap3A = arith.constant 0 : index
    %swap3A_20 = arith.constant 0 : index
    %swap3A_21 = vector.load %arg4[%swap3A, %swap3A_20] : memref<2528x128xf32, #tpu.memory_space<vmem>>, vector<2528x128xf32>
    tpu.vector_store %arg4[%swap3A, %swap3A_20], %mul3A_19 {strides = array<i32>} : memref<2528x128xf32, #tpu.memory_space<vmem>>, vector<2528x128xf32>,
    %swap3A_22 = arith.constant 0 : index
    %swap3A_23 = arith.constant 0 : index
    %swap3A_24 = vector.load %arg5[%swap3A_22, %swap3A_23] : memref<2528x1xf32, #tpu.memory_space<vmem>>, vector<2528x1xf32>
    tpu.vector_store %arg5[%swap3A_22, %swap3A_23], %rsqrt3A {strides = array<i32>} : memref<2528x1xf32, #tpu.memory_space<vmem>>, vector<2528x1xf32>,
    return
  }
  func.func @transform_0(%arg0: i32) -> (i32, i32) {
    %c0_i32 = arith.constant 0 : i32
    %c0_i32_0 = arith.constant 0 : i32
    return %arg0, %c0_i32 : i32, i32
  }
  func.func @transform_1(%arg0: i32) -> (i32, i32) {
    %c0_i32 = arith.constant 0 : i32
    %c0_i32_0 = arith.constant 0 : i32
    %c0_i32_1 = arith.constant 0 : i32
    return %c0_i32, %c0_i32_0 : i32, i32
  }
  func.func @transform_2(%arg0: i32) -> (i32, i32, i32) {
    %c0_i32 = arith.constant 0 : i32
    %c0_i32_0 = arith.constant 0 : i32
    %c0_i32_1 = arith.constant 0 : i32
    return %c0_i32, %arg0, %c0_i32_0 : i32, i32, i32
  }
  func.func @transform_3(%arg0: i32) -> (i32, i32) {
    %c0_i32 = arith.constant 0 : i32
    %c0_i32_0 = arith.constant 0 : i32
    return %arg0, %c0_i32 : i32, i32
  }
  func.func @transform_4(%arg0: i32) -> (i32, i32) {
    %c0_i32 = arith.constant 0 : i32
    %c0_i32_0 = arith.constant 0 : i32
    return %arg0, %c0_i32 : i32, i32
  }
}

module attributes {stable_mosaic.version = 14 : i64} {
  func.func @body(%arg0: i32, %arg1: memref<2x2528x128xf32, #tpu.memory_space<vmem>>, %arg2: memref<2528x128xf32, #tpu.memory_space<vmem>>, %arg3: memref<2528x1xf32, #tpu.memory_space<vmem>>, %arg4: memref<1x128xf32, #tpu.memory_space<vmem>>, %arg5: memref<2528x128xf32, #tpu.memory_space<vmem>>) attributes {dimension_semantics = [#tpu.dimension_semantics<arbitrary>], iteration_bounds = array<i64: 4>, scalar_prefetch = 0 : i64, scratch_operands = 0 : i64, tpu.core_type = #tpu.core_type<tc>, window_params = [{transform_indices = @transform_0, window_bounds = array<i64: 2, 2528, 128>}, {transform_indices = @transform_1, window_bounds = array<i64: 2528, 128>}, {transform_indices = @transform_2, window_bounds = array<i64: 2528, 1>}, {pipeline_mode = #tpu.pipeline_mode<synchronous>, transform_indices = @transform_3, window_bounds = array<i64: 1, 128>}, {transform_indices = @transform_4, window_bounds = array<i64: 2528, 128>}]} {
    %get3A = arith.constant 0 : index
    %get3A_0 = arith.constant 0 : index
    %get3A_1 = arith.constant 0 : index
    %get3A_2 = vector.load %arg1[%get3A, %get3A_0, %get3A_1] : memref<2x2528x128xf32, #tpu.memory_space<vmem>>, vector<1x2528x128xf32>
    %get3A_3 = vector.shape_cast %get3A_2 : vector<1x2528x128xf32> to vector<2528x128xf32>
    %get3A_4 = arith.constant 1 : index
    %get3A_5 = arith.constant 0 : index
    %get3A_6 = arith.constant 0 : index
    %get3A_7 = vector.load %arg1[%get3A_4, %get3A_5, %get3A_6] : memref<2x2528x128xf32, #tpu.memory_space<vmem>>, vector<1x2528x128xf32>
    %get3A_8 = vector.shape_cast %get3A_7 : vector<1x2528x128xf32> to vector<2528x128xf32>
    %add3A = arith.addf %get3A_3, %get3A_8 : vector<2528x128xf32>
    %get3A_9 = arith.constant 0 : index
    %get3A_10 = arith.constant 0 : index
    %get3A_11 = vector.load %arg2[%get3A_9, %get3A_10] : memref<2528x128xf32, #tpu.memory_space<vmem>>, vector<2528x128xf32>
    %sub3A = arith.subf %add3A, %get3A_11 : vector<2528x128xf32>
    %get3A_12 = arith.constant 0 : index
    %get3A_13 = arith.constant 0 : index
    %get3A_14 = vector.load %arg3[%get3A_12, %get3A_13] : memref<2528x1xf32, #tpu.memory_space<vmem>>, vector<2528x1xf32>
    %mul3A = vector.broadcast %get3A_14 : vector<2528x1xf32> to vector<2528x128xf32>
    %mul3A_15 = arith.mulf %mul3A, %sub3A : vector<2528x128xf32>
    %get3A_16 = arith.constant 0 : index
    %get3A_17 = arith.constant 0 : index
    %get3A_18 = vector.load %arg4[%get3A_16, %get3A_17] : memref<1x128xf32, #tpu.memory_space<vmem>>, vector<1x128xf32>
    %add3A_19 = vector.broadcast %get3A_18 : vector<1x128xf32> to vector<2528x128xf32>
    %add3A_20 = arith.addf %mul3A_15, %add3A_19 : vector<2528x128xf32>
    %max3A = arith.constant 0.000000e+00 : f32
    %max3A_21 = vector.broadcast %max3A : f32 to vector<2528x128xf32>
    %max3A_22 = arith.maximumf %add3A_20, %max3A_21 : vector<2528x128xf32>
    %get3A_23 = arith.constant 0 : index
    %get3A_24 = arith.constant 0 : index
    %get3A_25 = vector.load %arg3[%get3A_23, %get3A_24] : memref<2528x1xf32, #tpu.memory_space<vmem>>, vector<2528x1xf32>
    %mul3A_26 = vector.broadcast %get3A_25 : vector<2528x1xf32> to vector<2528x128xf32>
    %mul3A_27 = arith.mulf %mul3A_26, %max3A_22 : vector<2528x128xf32>
    %swap3A = arith.constant 0 : index
    %swap3A_28 = arith.constant 0 : index
    %swap3A_29 = vector.load %arg5[%swap3A, %swap3A_28] : memref<2528x128xf32, #tpu.memory_space<vmem>>, vector<2528x128xf32>
    tpu.vector_store %arg5[%swap3A, %swap3A_28], %mul3A_27 {strides = array<i32>} : memref<2528x128xf32, #tpu.memory_space<vmem>>, vector<2528x128xf32>,
    return
  }
  func.func @transform_0(%arg0: i32) -> (i32, i32, i32) {
    %c0_i32 = arith.constant 0 : i32
    %c0_i32_0 = arith.constant 0 : i32
    %c0_i32_1 = arith.constant 0 : i32
    return %c0_i32, %arg0, %c0_i32_0 : i32, i32, i32
  }
  func.func @transform_1(%arg0: i32) -> (i32, i32) {
    %c0_i32 = arith.constant 0 : i32
    %c0_i32_0 = arith.constant 0 : i32
    return %arg0, %c0_i32 : i32, i32
  }
  func.func @transform_2(%arg0: i32) -> (i32, i32) {
    %c0_i32 = arith.constant 0 : i32
    %c0_i32_0 = arith.constant 0 : i32
    return %arg0, %c0_i32 : i32, i32
  }
  func.func @transform_3(%arg0: i32) -> (i32, i32) {
    %c0_i32 = arith.constant 0 : i32
    %c0_i32_0 = arith.constant 0 : i32
    %c0_i32_1 = arith.constant 0 : i32
    return %c0_i32, %c0_i32_0 : i32, i32
  }
  func.func @transform_4(%arg0: i32) -> (i32, i32) {
    %c0_i32 = arith.constant 0 : i32
    %c0_i32_0 = arith.constant 0 : i32
    return %arg0, %c0_i32 : i32, i32
  }
}

module attributes {stable_mosaic.version = 14 : i64} {
  func.func @body(%arg0: i32, %arg1: memref<2x2528x128xf32, #tpu.memory_space<vmem>>, %arg2: memref<2528x128xf32, #tpu.memory_space<vmem>>, %arg3: memref<2528x1xf32, #tpu.memory_space<vmem>>, %arg4: memref<128x64xf32, #tpu.memory_space<vmem>>, %arg5: memref<1x64xf32, #tpu.memory_space<vmem>>, %arg6: memref<64x16xf32, #tpu.memory_space<vmem>>, %arg7: memref<1x16xf32, #tpu.memory_space<vmem>>, %arg8: memref<2528x16xf32, #tpu.memory_space<vmem>>, %arg9: memref<2528x16xf32, #tpu.memory_space<vmem>>) attributes {dimension_semantics = [#tpu.dimension_semantics<arbitrary>], iteration_bounds = array<i64: 4>, scalar_prefetch = 0 : i64, scratch_operands = 0 : i64, tpu.core_type = #tpu.core_type<tc>, window_params = [{transform_indices = @transform_0, window_bounds = array<i64: 2, 2528, 128>}, {transform_indices = @transform_1, window_bounds = array<i64: 2528, 128>}, {transform_indices = @transform_2, window_bounds = array<i64: 2528, 1>}, {pipeline_mode = #tpu.pipeline_mode<synchronous>, transform_indices = @transform_3, window_bounds = array<i64: 128, 64>}, {pipeline_mode = #tpu.pipeline_mode<synchronous>, transform_indices = @transform_4, window_bounds = array<i64: 1, 64>}, {pipeline_mode = #tpu.pipeline_mode<synchronous>, transform_indices = @transform_5, window_bounds = array<i64: 64, 16>}, {pipeline_mode = #tpu.pipeline_mode<synchronous>, transform_indices = @transform_6, window_bounds = array<i64: 1, 16>}, {transform_indices = @transform_7, window_bounds = array<i64: 2528, 16>}, {transform_indices = @transform_8, window_bounds = array<i64: 2528, 16>}]} {
    %get3A = arith.constant 0 : index
    %get3A_0 = arith.constant 0 : index
    %get3A_1 = vector.load %arg3[%get3A, %get3A_0] : memref<2528x1xf32, #tpu.memory_space<vmem>>, vector<2528x1xf32>
    %get3A_2 = arith.constant 0 : index
    %get3A_3 = arith.constant 0 : index
    %get3A_4 = arith.constant 0 : index
    %get3A_5 = vector.load %arg1[%get3A_2, %get3A_3, %get3A_4] : memref<2x2528x128xf32, #tpu.memory_space<vmem>>, vector<1x2528x128xf32>
    %get3A_6 = vector.shape_cast %get3A_5 : vector<1x2528x128xf32> to vector<2528x128xf32>
    %get3A_7 = arith.constant 1 : index
    %get3A_8 = arith.constant 0 : index
    %get3A_9 = arith.constant 0 : index
    %get3A_10 = vector.load %arg1[%get3A_7, %get3A_8, %get3A_9] : memref<2x2528x128xf32, #tpu.memory_space<vmem>>, vector<1x2528x128xf32>
    %get3A_11 = vector.shape_cast %get3A_10 : vector<1x2528x128xf32> to vector<2528x128xf32>
    %add3A = arith.addf %get3A_6, %get3A_11 : vector<2528x128xf32>
    %get3A_12 = arith.constant 0 : index
    %get3A_13 = arith.constant 0 : index
    %get3A_14 = vector.load %arg2[%get3A_12, %get3A_13] : memref<2528x128xf32, #tpu.memory_space<vmem>>, vector<2528x128xf32>
    %sub3A = arith.subf %add3A, %get3A_14 : vector<2528x128xf32>
    %mul3A = vector.broadcast %get3A_1 : vector<2528x1xf32> to vector<2528x128xf32>
    %mul3A_15 = arith.mulf %mul3A, %sub3A : vector<2528x128xf32>
    %get3A_16 = arith.constant 0 : index
    %get3A_17 = arith.constant 0 : index
    %get3A_18 = vector.load %arg4[%get3A_16, %get3A_17] : memref<128x64xf32, #tpu.memory_space<vmem>>, vector<128x64xf32>
    %dot_general3A = arith.constant dense<0.000000e+00> : vector<2528x64xf32>
    %dot_general3A_19 = tpu.matmul %mul3A_15, %get3A_18, %dot_general3A {dimension_numbers = #tpu.dot_dimension_numbers<[1], [0], [0], [1], [0, 0, 1, 1], [], []>, transpose_lhs_hint = false} : vector<2528x128xf32>, vector<128x64xf32>, vector<2528x64xf32> -> vector<2528x64xf32>
    %get3A_20 = arith.constant 0 : index
    %get3A_21 = arith.constant 0 : index
    %get3A_22 = vector.load %arg5[%get3A_20, %get3A_21] : memref<1x64xf32, #tpu.memory_space<vmem>>, vector<1x64xf32>
    %add3A_23 = vector.broadcast %get3A_22 : vector<1x64xf32> to vector<2528x64xf32>
    %add3A_24 = arith.addf %dot_general3A_19, %add3A_23 : vector<2528x64xf32>
    %max3A = arith.constant 0.000000e+00 : f32
    %max3A_25 = vector.broadcast %max3A : f32 to vector<2528x64xf32>
    %max3A_26 = arith.maximumf %add3A_24, %max3A_25 : vector<2528x64xf32>
    %get3A_27 = arith.constant 0 : index
    %get3A_28 = arith.constant 0 : index
    %get3A_29 = vector.load %arg6[%get3A_27, %get3A_28] : memref<64x16xf32, #tpu.memory_space<vmem>>, vector<64x16xf32>
    %dot_general3A_30 = arith.constant dense<0.000000e+00> : vector<2528x16xf32>
    %dot_general3A_31 = tpu.matmul %max3A_26, %get3A_29, %dot_general3A_30 {dimension_numbers = #tpu.dot_dimension_numbers<[1], [0], [0], [1], [0, 0, 1, 1], [], []>, transpose_lhs_hint = false} : vector<2528x64xf32>, vector<64x16xf32>, vector<2528x16xf32> -> vector<2528x16xf32>
    %get3A_32 = arith.constant 0 : index
    %get3A_33 = arith.constant 0 : index
    %get3A_34 = vector.load %arg7[%get3A_32, %get3A_33] : memref<1x16xf32, #tpu.memory_space<vmem>>, vector<1x16xf32>
    %add3A_35 = vector.broadcast %get3A_34 : vector<1x16xf32> to vector<2528x16xf32>
    %add3A_36 = arith.addf %dot_general3A_31, %add3A_35 : vector<2528x16xf32>
    %swap3A = arith.constant 0 : index
    %swap3A_37 = arith.constant 0 : index
    %swap3A_38 = vector.load %arg8[%swap3A, %swap3A_37] : memref<2528x16xf32, #tpu.memory_space<vmem>>, vector<2528x16xf32>
    tpu.vector_store %arg8[%swap3A, %swap3A_37], %add3A_36 {strides = array<i32>} : memref<2528x16xf32, #tpu.memory_space<vmem>>, vector<2528x16xf32>,
    %reduce_max3A = arith.constant dense<0xFF800000> : vector<2528xf32>
    %reduce_max3A_39 = vector.multi_reduction <maximumf>, %add3A_36, %reduce_max3A [1] : vector<2528x16xf32> to vector<2528xf32>
    %broadcast_in_dim3A = vector.shape_cast %reduce_max3A_39 : vector<2528xf32> to vector<2528x1xf32>
    %sub3A_40 = vector.broadcast %broadcast_in_dim3A : vector<2528x1xf32> to vector<2528x16xf32>
    %sub3A_41 = arith.subf %add3A_36, %sub3A_40 : vector<2528x16xf32>
    %exp3A = math.exp %sub3A_41 : vector<2528x16xf32>
    %reduce_sum3A = arith.constant dense<0.000000e+00> : vector<2528xf32>
    %reduce_sum3A_42 = vector.multi_reduction <add>, %exp3A, %reduce_sum3A [1] : vector<2528x16xf32> to vector<2528xf32>
    %broadcast_in_dim3A_43 = vector.shape_cast %reduce_sum3A_42 : vector<2528xf32> to vector<2528x1xf32>
    %div3A = vector.broadcast %broadcast_in_dim3A_43 : vector<2528x1xf32> to vector<2528x16xf32>
    %div3A_44 = arith.divf %exp3A, %div3A : vector<2528x16xf32>
    %swap3A_45 = arith.constant 0 : index
    %swap3A_46 = arith.constant 0 : index
    %swap3A_47 = vector.load %arg9[%swap3A_45, %swap3A_46] : memref<2528x16xf32, #tpu.memory_space<vmem>>, vector<2528x16xf32>
    tpu.vector_store %arg9[%swap3A_45, %swap3A_46], %div3A_44 {strides = array<i32>} : memref<2528x16xf32, #tpu.memory_space<vmem>>, vector<2528x16xf32>,
    return
  }
  func.func @transform_0(%arg0: i32) -> (i32, i32, i32) {
    %c0_i32 = arith.constant 0 : i32
    %c0_i32_0 = arith.constant 0 : i32
    %c0_i32_1 = arith.constant 0 : i32
    return %c0_i32, %arg0, %c0_i32_0 : i32, i32, i32
  }
  func.func @transform_1(%arg0: i32) -> (i32, i32) {
    %c0_i32 = arith.constant 0 : i32
    %c0_i32_0 = arith.constant 0 : i32
    return %arg0, %c0_i32 : i32, i32
  }
  func.func @transform_2(%arg0: i32) -> (i32, i32) {
    %c0_i32 = arith.constant 0 : i32
    %c0_i32_0 = arith.constant 0 : i32
    return %arg0, %c0_i32 : i32, i32
  }
  func.func @transform_3(%arg0: i32) -> (i32, i32) {
    %c0_i32 = arith.constant 0 : i32
    %c0_i32_0 = arith.constant 0 : i32
    %c0_i32_1 = arith.constant 0 : i32
    return %c0_i32, %c0_i32_0 : i32, i32
  }
  func.func @transform_4(%arg0: i32) -> (i32, i32) {
    %c0_i32 = arith.constant 0 : i32
    %c0_i32_0 = arith.constant 0 : i32
    %c0_i32_1 = arith.constant 0 : i32
    return %c0_i32, %c0_i32_0 : i32, i32
  }
  func.func @transform_5(%arg0: i32) -> (i32, i32) {
    %c0_i32 = arith.constant 0 : i32
    %c0_i32_0 = arith.constant 0 : i32
    %c0_i32_1 = arith.constant 0 : i32
    return %c0_i32, %c0_i32_0 : i32, i32
  }
  func.func @transform_6(%arg0: i32) -> (i32, i32) {
    %c0_i32 = arith.constant 0 : i32
    %c0_i32_0 = arith.constant 0 : i32
    %c0_i32_1 = arith.constant 0 : i32
    return %c0_i32, %c0_i32_0 : i32, i32
  }
  func.func @transform_7(%arg0: i32) -> (i32, i32) {
    %c0_i32 = arith.constant 0 : i32
    %c0_i32_0 = arith.constant 0 : i32
    return %arg0, %c0_i32 : i32, i32
  }
  func.func @transform_8(%arg0: i32) -> (i32, i32) {
    %c0_i32 = arith.constant 0 : i32
    %c0_i32_0 = arith.constant 0 : i32
    return %arg0, %c0_i32 : i32, i32
  }
}

</mosaic_0001>

<sc_bundles>
// kernel: kernel.11.cloned.1.call-start
scs
__scs_entry_jumppad:
0x0: {  	(pc) =	sbr.rel $0x88, $3  }
0x1: {  	(tag) =	ssettag $0x0;
	lr =	simm.s32 $0x1  }
0x2: {  	[smem:$0x3F99] =	sst lr;
	_ =	strace $0xD0000000  }
0x3: {  	_ = 	snop  }
0x4: {  	_ = 	snop  }
0x5: {  	_ = 	snop  }
0x6: {  	_ = 	snop  }
0x7: {  	_ = 	snop  }
__scs_overlays_trampoline_lowered:
0x8: {  	[smem:$0x3FA8] =	sst s0  }
0x9: {  	[smem:$0x3FA9] =	sst s1  }
0xa: {  	[smem:$0x3FAA] =	sst s2  }
0xb: {  	[smem:$0x3FAB] =	sst s3  }
0xc: {  	[smem:$0x3FAC] =	sst s4  }
0xd: {  	[smem:$0x3FAD] =	sst s5  }
0xe: {  	[smem:$0x3FAE] =	sst s6  }
0xf: {  	[smem:$0x3FAF] =	sst s7  }
0x10: {  	[smem:$0x3FB0] =	sst s8  }
0x11: {  	[smem:$0x3FB1] =	sst s9;
	s0 =	simm.s32 @!p0 $0x0  }
0x12: {  	s1 =	sld [smem:$0x3F97];
	s0 =	simm.s32 @p0 $0x1  }
0x13: {  	[smem:$0x3FB2] =	sst s0;
	s0 =	simm.s32 @!p1 $0x0  }
0x14: {  	s2 =	sld [smem:$0x3F96];
	s0 =	simm.s32 @p1 $0x1  }
0x15: {  	[smem:$0x3FB3] =	sst s0;
	s0 =	simm.s32 @!p2 $0x0  }
0x16: {  	s3 =	sld [smem:$0x3FDB];
	s0 =	simm.s32 @p2 $0x1  }
0x17: {  	s4 =	simm.s32 $0x1BF5;
	[smem:$0x3FB5] =	sst s0  }
0x18: {  	s0 =	sld [smem:$0x3F98];
	_ =	swait.ge [sflag:s4], $0x0  }
0x19: {  	s7 =	sld [smem:$0x3F99]  }
0x1a: {  	s8 =	sadd.s32 $0xFFFFE003, lr  }
0x1b: {  	s9 =	sadd.s32 $0xFFFFFEF7, lr;
	s5 =	simm.s32 $0xFFFFFFFF;
	p2 =	slt.u32 s8, $0xFFFFF086  }
0x1c: {  	p1 =	slt.u32 s9, $0xF7A;
	s5 =	simm.s32 @!p2 $0x0  }
0x1d: {  	s5 =	simm.s32 @p1 $0x1;
	p0 =	seq.s32 s7, s2  }
0x1e: {  	s7 =	smul.u32 @!p0 $0xF7A, s2;
	p2 =	seq.s32 @!p0 s5, $0x0  }
0x1f: {  	s9 =	smul.u32 $0xF7A, s1;
	s8 =	simm.s32 @!p0 $0x1BF5;
	p2 =	por !p2, p0  }
0x20: {  	[sflag:s8] =	ssyncset.s32 @!p0 $0xFFFFF086;
	s6 =	sadd.s32 @!p0 s3, s7;
	s7 =	simm.s32 @!p0 $0x108  }
0x21: {  	s3 =	sadd.s32 s3, s9;
	s6 =	sadd.s32 @!p0 $0x88, s6;
	s7 =	simm.s32 @p2 $0x1082  }
0x22: {  	[simem:s7], [sflag:s8] =	dma.local @!p0 [hbm:s6], $0xF7A  }
0x23: {  	s9 =	sor.u32 $0xD0000000, s2;
	s6 =	simm.s32 $0x108;
	_ =	swait.ge @!p0 [sflag:s8], $0x0  }
0x24: {  	s3 =	sadd.s32 $0x88, s3;
	s6 =	simm.s32 @!p1 $0x1082;
	[sflag:s4] =	ssyncset.s32 $0xFFFFF086  }
0x25: {  	[simem:s6], [sflag:s4] =	dma.local [hbm:s3], $0xF7A  }
0x26: {  	[smem:$0x3F99] =	sst s1;
	(tag) =	ssettag s2;
	_ =	strace s9  }
0x27: {  	s1 =	sld [smem:$0x3FA9]  }
0x28: {  	s2 =	sld [smem:$0x3FAA]  }
0x29: {  	s4 =	sld [smem:$0x3FAC]  }
0x2a: {  	p0 =	seq.s32 s5, $0x0;
	s5 =	sld [smem:$0x3FAD]  }
0x2b: {  	s6 =	sld [smem:$0x3FAE]  }
0x2c: {  	s7 =	sld [smem:$0x3FAF]  }
0x2d: {  	s3 =	simm.s32 $0x108;
	s8 =	sld [smem:$0x3FB0]  }
0x2e: {  	s3 =	simm.s32 @!p0 $0x1082;
	s9 =	sld [smem:$0x3FB1]  }
0x2f: {  	lr =	sadd.s32 s0, s3;
	s0 =	sld [smem:$0x3FA8]  }
0x30: {  	s3 =	sld [smem:$0x3FAB]  }
0x31: {  	[smem:$0x3FB4] =	sst s10  }
0x32: {  	s10 =	sld [smem:$0x3FB2];
	_ =	sdelay $0x3  }
0x33: {  	p0 =	seq.s32 s10, $0x1;
	s10 =	sld [smem:$0x3FB4];
	_ =	sdelay $0x3  }
0x34: {  	[smem:$0x3FB4] =	sst s10  }
0x35: {  	s10 =	sld [smem:$0x3FB3];
	_ =	sdelay $0x3  }
0x36: {  	p1 =	seq.s32 s10, $0x1;
	s10 =	sld [smem:$0x3FB4];
	_ =	sdelay $0x3  }
0x37: {  	[smem:$0x3FB4] =	sst s10  }
0x38: {  	s10 =	sld [smem:$0x3FB5]  }
0x39: {  	_ = 	snop;
	(pc) =	sbr.ind lr, $3  }
0x3a: {  	_ = 	snop  }
0x3b: {  	_ = 	snop  }
0x3c: {  	p2 =	seq.s32 s10, $0x1;
	s10 =	sld [smem:$0x3FB4]  }
0x3d: {  	_ =	shalt  }
0x3e: {  	_ =	shalt  }
0x3f: {  	_ =	shalt  }
0x40: {  	_ =	shalt  }
0x41: {  	_ =	shalt  }
0x42: {  	_ =	shalt  }
0x43: {  	_ =	shalt  }
0x44: {  	_ =	shalt  }
0x45: {  	_ =	shalt  }
0x46: {  	_ =	shalt  }
0x47: {  	_ =	shalt  }
0x48: {  	_ =	shalt  }
0x49: {  	_ =	shalt  }
0x4a: {  	_ =	shalt  }
0x4b: {  	_ =	shalt  }
0x4c: {  	_ =	shalt  }
0x4d: {  	_ =	shalt  }
0x4e: {  	_ =	shalt  }
0x4f: {  	_ =	shalt  }
0x50: {  	_ =	shalt  }
0x51: {  	_ =	shalt  }
0x52: {  	_ =	shalt  }
0x53: {  	_ =	shalt  }
0x54: {  	_ =	shalt  }
0x55: {  	_ =	shalt  }
0x56: {  	_ =	shalt  }
0x57: {  	_ =	shalt  }
0x58: {  	_ =	shalt  }
0x59: {  	_ =	shalt  }
0x5a: {  	_ =	shalt  }
0x5b: {  	_ =	shalt  }
0x5c: {  	_ =	shalt  }
0x5d: {  	_ =	shalt  }
0x5e: {  	_ =	shalt  }
0x5f: {  	_ =	shalt  }
0x60: {  	_ =	shalt  }
0x61: {  	_ =	shalt  }
0x62: {  	_ =	shalt  }
0x63: {  	_ =	shalt  }
0x64: {  	_ =	shalt  }
0x65: {  	_ =	shalt  }
0x66: {  	_ =	shalt  }
0x67: {  	_ =	shalt  }
0x68: {  	_ =	shalt  }
0x69: {  	_ =	shalt  }
0x6a: {  	_ =	shalt  }
0x6b: {  	_ =	shalt  }
0x6c: {  	_ =	shalt  }
0x6d: {  	_ =	shalt  }
0x6e: {  	_ =	shalt  }
0x6f: {  	_ =	shalt  }
0x70: {  	_ =	shalt  }
0x71: {  	_ =	shalt  }
0x72: {  	_ =	shalt  }
0x73: {  	_ =	shalt  }
0x74: {  	_ =	shalt  }
0x75: {  	_ =	shalt  }
0x76: {  	_ =	shalt  }
0x77: {  	_ =	shalt  }
0x78: {  	_ =	shalt  }
0x79: {  	_ =	shalt  }
0x7a: {  	_ =	shalt  }
0x7b: {  	_ =	shalt  }
0x7c: {  	_ =	shalt  }
0x7d: {  	_ =	shalt  }
0x7e: {  	_ =	shalt  }
0x7f: {  	_ =	shalt  }
0x80: {  	_ =	shalt  }
0x81: {  	_ =	shalt  }
0x82: {  	_ =	shalt  }
0x83: {  	_ =	shalt  }
0x84: {  	_ =	shalt  }
0x85: {  	_ =	shalt  }
0x86: {  	_ =	shalt  }
0x87: {  	_ =	shalt  }
.Lfunc_end0:
.L_simem_size_0:
called_computation.1_lowered:
.L_overlay_start_0:
0x88: {  	s2 =	sld [smem:$0x3FD9]  }
0x89: {  	s3 =	sld [smem:$0x3FFE];
	_ =	sdelay $0x1  }
0x8a: {  	s1 =	srdreg.scid  }
0x8b: {  	s0 =	sand.u32 $0x1, s1  }
0x8c: {  	s16 =	sshll.u32 s0, $0xA;
	s2 =	sadd.s32 s3, s2  }
0x8d: {  	s2 =	sadd.s32 s2, s16  }
0x8e: {  	[smem:$0x3FC0] =	sst s2  }
0x8f: {  	_ = 	snop  }
0x90: {  	(tm) =	ssettm $0x1  }
0x91: {  	s17 =	sld [smem:$0x3FFB];
	_ =	sdelay $0x3  }
0x92: {  	_ =	strace s17  }
0x93: {  	s2 =	sld [smem:$0x3FFC];
	_ =	sdelay $0x3  }
0x94: {  	_ =	strace s2  }
0x95: {  	s2 =	sld [smem:$0x3FFD];
	_ =	sdelay $0x3  }
0x96: {  	_ =	strace s2  }
0x97: {  	_ =	strace $0x8FFFFFFF  }
0x98: {  	s18 =	sld [smem:$0x3FDB];
	_ =	sdelay $0x1  }
0x99: {  	s19 =	simm.s32 $_scs_section_size  }
0x9a: {  	s4 =	simm.s32 $_size__tile_overlayer_lowered;
	s5 =	simm.s32 $_tile_overlayer_lowered  }
0x9b: {  	s22 =	simm.s32 $0x1BFF;
	s21 =	sshll.u32 s5, $0x1;
	s2 =	sadd.s32 s19, s18  }
0x9c: {  	s6 =	simm.s32 $0x0;
	s20 =	sshll.u32 s4, $0x1;
	s4 =	sadd.s32 s21, s2  }
0x9d: {  	[timem:s6], [sflag:s22] =	dma.local [hbm:s4], s20  }
0x9e: {  	_ =	swait.ge [sflag:s22], s20  }
0x9f: {  	s3 =	ssub.s32 $0x0, s20;
	[sflag:s22] =	ssyncset.done $0x0  }
0xa0: {  	[sflag:s22] =	ssyncadd.s32 s3;
	_ =	sdelay $0x1  }
0xa1: {  	s23 =	simm.s32 $0x1B8B  }
0xa2: {  	_ =	swait.ge [sflag:s23], $0x1  }
0xa3: {  	[sflag:s23] =	ssyncset.done $0x0  }
0xa4: {  	s25 =	simm.s32 $0x1B8E;
	s24 =	sld [smem:$0x3FFE];
	[sflag:s23] =	ssyncadd.s32 $0xFFFFFFFF  }
0xa5: {  	s26 =	simm.s32 $execute0_lowered;
	[smem:$0x3FD2] =	sst s25  }
0xa6: {  	s4 =	sshll.u32 s26, $0x1;
	_ =	strace $0x80000049;
	[dreg:$0x1] =	wrdreg $0xFFFFFFFF  }
0xa7: {  	s28 =	simm.s32 $_size_execute0_lowered;
	s2 =	sadd.s32 s2, s4;
	[dreg:$0x0] =	wrdreg $0x0  }
0xa8: {  	s4 =	sshll.u32 s28, $0x1;
	[dreg:$0x2] =	wrdreg s2  }
0xa9: {  	[dreg:$0x3] =	wrdreg s4  }
0xaa: {  	[dreg:$0x4] =	wrdreg $0xC0  }
0xab: {  	_ =	task [dreg:s6], $0x5FFFF  }
0xac: {  	[dreg:$0x1] =	wrdreg $0xFFFFFFFF  }
0xad: {  	[dreg:$0x0] =	wrdreg $0x60  }
0xae: {  	[dreg:$0x2] =	wrdreg s24  }
0xaf: {  	[dreg:$0x3] =	wrdreg $0x90000  }
0xb0: {  	[dreg:$0x4] =	wrdreg $0x9  }
0xb1: {  	_ =	task.clear_ibuf [dreg:s6], $0x5FFFF;
	_ =	strace $0x90000049  }
0xb2: {  	s29 =	simm.s32 $0x9;
	_ =	strace $0x8000004B  }
0xb3: {  	_ =	swait.ge [sflag:s29], $0x1  }
0xb4: {  	[sflag:s29] =	ssyncadd.s32 $0xFFFFFFFF  }
0xb5: {  	_ =	strace $0x9000004B  }
0xb6: {  	_ =	sfence  }
0xb7: {  	s30 =	sld [smem:$0x0];
	_ =	sdelay $0x2  }
0xb8: {  	s31 =	sshll.u32 s1, $0xD;
	s1 =	sshrl.u32 s1, $0x2  }
0xb9: {  	s3 =	sand.u32 $0x4000, s31;
	s1 =	sadd.s32 s1, s30  }
0xba: {  	s0 =	sor.u32 s3, s0;
	s1 =	sshll.u32 s1, $0x11  }
0xbb: {  	s0 =	sor.u32 s1, s0  }
0xbc: {  	s0 =	sadd.s32 $0x8F2B, s0  }
0xbd: {  	[sflag:s0] =	ssyncadd.remote.s32 $0x1  }
0xbe: {  	_ =	sfence.sel $0xFFFF  }
0xbf: {  	[dreg:$0x0] =	wrdreg $0xFFFFFFFF;
	(pc) =	sbr.abs _section_cstart, $3  }
0xc0: {  	[dreg:$0x1] =	wrdreg $0xFFFFFFFF  }
0xc1: {  	_ =	task.clear_ibuf [dreg:s6], $0x2FFFF;
	_ =	strace $0x9FFFFFFF  }
0xc2: {  	(tm) =	ssettm $0x7FFFFFFF  }
0xc3: {  	_ =	shalt  }
tec
execute0_lowered:
.L_overlay_start_1:
0x0: {  	(tag) =	ssettag $0x1  }
0x1: {  	s5 =	rddreg [dreg:$0x0]  }
0x2: {  	s2 =	rddreg [dreg:$0x1]  }
0x3: {  	s0 =	rddreg [dreg:$0x2]  }
0x4: {  	s4 =	srdreg.scid;
	s1 =	stileid.u32  }
0x5: {  	s3 =	simm.s32 $0x0;
	s12 =	simm.s32 $0x5;
	s13 =	simm.s32 $0x2800  }
0x6: {  	s14 =	simm.s32 $0x20;
	s15 =	simm.s32 $0x5000;
	s16 =	simm.s32 $0x6000  }
0x7: {  	s17 =	simm.s32 $0x7000;
	s18 =	simm.s32 $0x8000;
	s19 =	simm.s32 $0x1  }
0x8: {  	s20 =	simm.s32 $0x2;
	s21 =	simm.s32 $0x3;
	s22 =	simm.s32 $0x4  }
0x9: {  	s23 =	simm.s32 $0x80;
	s24 =	simm.s32 $0x0;
	s6 =	sand.u32 $0x1, s4  }
0xa: {  	s7 =	smul.u32 $0x13C00, s1;
	[smem:$0x7FF] =	sst s3;
	s8 =	sshll.u32 s1, $0x1  }
0xb: {  	s4 =	sadd.s32 $0xCA00, s5;
	s11 =	smul.u32 $0x4F000, s1;
	s31 =	sshll.u32 s1, $0x6  }
0xc: {  	s9 =	smul.u32 $0x13C000, s6;
	s8 =	sor.u32 s6, s8;
	s6 =	ssub.s32 $0x2, s6  }
0xd: {  	_ =	strace $0x8000004A;
	s8 =	smul.u32 $0x500, s8;
	s10 =	sshrl.u32 s6, $0x1  }
0xe: {  	s29 =	sshrl.u32 s11, $0x2;
	s30 =	sshrl.u32 s7, $0x3;
	s9 =	sadd.s32 s7, s9  }
0xf: {  	s10 =	ssub.s32 s6, s10;
	s11 =	sadd.s32 s29, s2;
	s6 =	sor.u32 $0x1C05, s31  }
0x10: {  	s9 =	sshrl.u32 s9, $0x3;
	s8 =	sadd.s32 s8, s5;
	s10 =	smax.u32 s10, $0x1  }
0x11: {  	s11 =	sshrl.u32 s11, $0x3;
	s9 =	sadd.s32 s9, s5;
	s5 =	sadd.s32 s4, s30  }
0x12: {  	s7 =	sadd.s32 $0x83200, s8;
	s8 =	sadd.s32 $0x2A00, s8;
	s9 =	sadd.s32 $0x34200, s9  }
.LBB2_1:
0x13: {  	[spmem:s11], [sflag:s6] =	dma.local [hbm:s5], $0x2780  }
0x14: {  	_ =	swait.ge [sflag:s12], $0x2780  }
0x15: {  	[sflag:s12] =	ssyncset.done $0x0  }
0x16: {  	[sflag:s12] =	ssyncadd.s32 $0xFFFFD880  }
0x17: {  	[bflag:$0x0] =	sbarrier.arrive $0xFFFF  }
0x18: {  	[tilespmem:s3], [sflag:$0x5] =	stream.linear.gather [hbm4b:s7+s3], $0x2780, $0x38;
	[tilespmem:$0x1CC00] =	vst v63  }
0x19: {  	_ =	swait.ge [sflag:s12], $0x2780  }
0x1a: {  	[sflag:s12] =	ssyncset.done $0x0  }
0x1b: {  	[sflag:s12] =	ssyncadd.s32 $0xFFFFD880  }
0x1c: {  	[tilespmem:s13], [sflag:$0x5] =	stream.linear.gather [hbm4b:s8+s3], $0x2780, $0x38;
	[tilespmem:$0x1CC00] =	vst v63  }
0x1d: {  	_ =	swait.ge [sflag:s12], $0x2780  }
0x1e: {  	[sflag:s12] =	ssyncset.done $0x0  }
0x1f: {  	s25 =	simm.s32 $0x0;
	[sflag:s12] =	ssyncadd.s32 $0xFFFFD880  }
0x20: {  	[tilespmem:s15], [sflag:$0x1] =	stream.indirect.gather [hbm4b:s4+s14], $0x80, s25, s14, $0xb8;
	[tilespmem:$0x1CC00] =	vst v63  }
0x21: {  	s28 =	simm.s32 $0x20  }
0x22: {  	[tilespmem:s16], [sflag:$0x2] =	stream.indirect.gather [hbm4b:s4+s14], $0x80, s28, s14, $0xb8;
	[tilespmem:$0x1CC00] =	vst v63  }
0x23: {  	s29 =	simm.s32 $0x40  }
0x24: {  	[tilespmem:s17], [sflag:$0x3] =	stream.indirect.gather [hbm4b:s4+s14], $0x80, s29, s14, $0xb8;
	[tilespmem:$0x1CC00] =	vst v63  }
0x25: {  	s30 =	simm.s32 $0x60  }
0x26: {  	[tilespmem:s18], [sflag:$0x4] =	stream.indirect.gather [hbm4b:s4+s14], $0x80, s30, s14, $0xb8;
	[tilespmem:$0x1CC00] =	vst v63  }
0x27: {  	_ =	swait.ge [sflag:s19], $0x1000  }
0x28: {  	[sflag:s19] =	ssyncset.done $0x0  }
0x29: {  	[sflag:s19] =	ssyncadd.s32 $0xFFFFF000  }
0x2a: {  	_ =	swait.ge [sflag:s20], $0x1000  }
0x2b: {  	[sflag:s20] =	ssyncset.done $0x0  }
0x2c: {  	[sflag:s20] =	ssyncadd.s32 $0xFFFFF000  }
0x2d: {  	_ =	swait.ge [sflag:s21], $0x1000  }
0x2e: {  	[sflag:s21] =	ssyncset.done $0x0  }
0x2f: {  	[sflag:s21] =	ssyncadd.s32 $0xFFFFF000  }
0x30: {  	_ =	swait.ge [sflag:s22], $0x1000  }
0x31: {  	[sflag:s22] =	ssyncset.done $0x0  }
0x32: {  	s31 =	simm.s32 $0x2800;
	[sflag:s22] =	ssyncadd.s32 $0xFFFFF000  }
0x33: {  	[spmem:s2] =	stream.indirect.scatter.add.f32 [tilespmem:s15], [sflag:$0x5], $0x80, s31, s23, $0xb8;
	[tilespmem:$0x1CC00] =	vst v63  }
0x34: {  	_ =	swait.ge [sflag:s12], $0x4000  }
0x35: {  	s26 =	simm.s32 $0x400;
	s25 =	simm.s32 $0x200;
	[sflag:s12] =	ssyncset.done $0x0  }
.LBB2_2:
0x36: {  	s28 =	sshra.s32 s25, $0x2  }
0x37: {  	[sflag:s12] =	ssyncadd.s32 $0xFFFFC000;
	s25 =	smov.u32 s26;
	s29 =	sadd.s32 $0x200, s26  }
0x38: {  	[tilespmem:s15], [sflag:$0x1] =	stream.indirect.gather [hbm4b:s4+s14], $0x80, s28, s14, $0xb8;
	[tilespmem:$0x1CC00] =	vst v63  }
0x39: {  	p0 =	sne.s32 s26, $0x9C00;
	s26 =	sadd.s32 $0x20, s28  }
0x3a: {  	[tilespmem:s16], [sflag:$0x2] =	stream.indirect.gather [hbm4b:s4+s14], $0x80, s26, s14, $0xb8;
	[tilespmem:$0x1CC00] =	vst v63  }
0x3b: {  	s26 =	sadd.s32 $0x40, s28  }
0x3c: {  	[tilespmem:s17], [sflag:$0x3] =	stream.indirect.gather [hbm4b:s4+s14], $0x80, s26, s14, $0xb8;
	[tilespmem:$0x1CC00] =	vst v63  }
0x3d: {  	s26 =	sadd.s32 $0x60, s28  }
0x3e: {  	[tilespmem:s18], [sflag:$0x4] =	stream.indirect.gather [hbm4b:s4+s14], $0x80, s26, s14, $0xb8;
	[tilespmem:$0x1CC00] =	vst v63  }
0x3f: {  	_ =	swait.ge [sflag:s19], $0x1000  }
0x40: {  	[sflag:s19] =	ssyncset.done $0x0  }
0x41: {  	[sflag:s19] =	ssyncadd.s32 $0xFFFFF000  }
0x42: {  	_ =	swait.ge [sflag:s20], $0x1000  }
0x43: {  	[sflag:s20] =	ssyncset.done $0x0  }
0x44: {  	[sflag:s20] =	ssyncadd.s32 $0xFFFFF000  }
0x45: {  	_ =	swait.ge [sflag:s21], $0x1000  }
0x46: {  	[sflag:s21] =	ssyncset.done $0x0  }
0x47: {  	[sflag:s21] =	ssyncadd.s32 $0xFFFFF000  }
0x48: {  	_ =	swait.ge [sflag:s22], $0x1000  }
.Ltmp0:
0x49: {  	[sflag:s22] =	ssyncset.done $0x0;
	(pc) =	sbr.rel @p0 .LBB2_2-.Ltmp0, $4  }
0x4a: {  	s26 =	sadd.s32 $0x2800, s28;
	[sflag:s22] =	ssyncadd.s32 $0xFFFFF000  }
0x4b: {  	[spmem:s2] =	stream.indirect.scatter.add.f32 [tilespmem:s15], [sflag:$0x5], $0x80, s26, s23, $0xb8;
	[tilespmem:$0x1CC00] =	vst v63  }
0x4c: {  	_ =	swait.ge [sflag:s12], $0x4000  }
0x4d: {  	s26 =	smov.u32 s29;
	[sflag:s12] =	ssyncset.done $0x0  }
0x4e: {  	s25 =	sshra.s32 s25, $0x2;
	[sflag:s12] =	ssyncadd.s32 $0xFFFFC000  }
0x4f: {  	[tilespmem:s15], [sflag:$0x1] =	stream.indirect.gather [hbm4b:s4+s14], $0x80, s25, s14, $0xb8;
	[tilespmem:$0x1CC00] =	vst v63  }
0x50: {  	s26 =	sadd.s32 $0x20, s25  }
0x51: {  	[tilespmem:s16], [sflag:$0x2] =	stream.indirect.gather [hbm4b:s4+s14], $0x80, s26, s14, $0xb8;
	[tilespmem:$0x1CC00] =	vst v63  }
0x52: {  	s30 =	sadd.s32 $0x40, s25  }
0x53: {  	[tilespmem:s17], [sflag:$0x3] =	stream.indirect.gather [hbm4b:s4+s14], $0x80, s30, s14, $0xb8;
	[tilespmem:$0x1CC00] =	vst v63  }
0x54: {  	s31 =	sadd.s32 $0x60, s25  }
0x55: {  	[tilespmem:s18], [sflag:$0x4] =	stream.indirect.gather [hbm4b:s4+s14], $0x80, s31, s14, $0xb8;
	[tilespmem:$0x1CC00] =	vst v63  }
0x56: {  	_ =	swait.ge [sflag:s19], $0x1000  }
0x57: {  	[sflag:s19] =	ssyncset.done $0x0  }
0x58: {  	[sflag:s19] =	ssyncadd.s32 $0xFFFFF000  }
0x59: {  	_ =	swait.ge [sflag:s20], $0x1000  }
0x5a: {  	[sflag:s20] =	ssyncset.done $0x0  }
0x5b: {  	[sflag:s20] =	ssyncadd.s32 $0xFFFFF000  }
0x5c: {  	_ =	swait.ge [sflag:s21], $0x1000  }
0x5d: {  	[sflag:s21] =	ssyncset.done $0x0  }
0x5e: {  	[sflag:s21] =	ssyncadd.s32 $0xFFFFF000  }
0x5f: {  	_ =	swait.ge [sflag:s22], $0x1000  }
0x60: {  	[sflag:s22] =	ssyncset.done $0x0  }
0x61: {  	s25 =	sadd.s32 $0x2800, s25;
	[sflag:s22] =	ssyncadd.s32 $0xFFFFF000  }
0x62: {  	[spmem:s2] =	stream.indirect.scatter.add.f32 [tilespmem:s15], [sflag:$0x5], $0x80, s25, s23, $0xb8;
	[tilespmem:$0x1CC00] =	vst v63  }
0x63: {  	_ =	swait.ge [sflag:s12], $0x4000  }
0x64: {  	s24 =	sadd.s32 $0x1, s24;
	[sflag:s12] =	ssyncset.done $0x0  }
0x65: {  	p0 =	sne.s32 s24, s10;
	[sflag:s12] =	ssyncadd.s32 $0xFFFFC000  }
.Ltmp1:
0x66: {  	[bflag:$0x0] =	sbarrier.arrive $0xFFFF;
	(pc) =	sbr.rel @p0 .LBB2_1-.Ltmp1, $4  }
0x67: {  	[hbm:s9], [sflag:s6] =	dma.local [spmem:s11], $0x2780  }
0x68: {  	_ =	swait.ge [sflag:s12], $0x2780  }
0x69: {  	[sflag:s12] =	ssyncset.done $0x0  }
0x6a: {  	[sflag:s12] =	ssyncadd.s32 $0xFFFFD880  }
0x6b: {  	_ =	sfence.sel $0x180000  }
0x6c: {  	[bflag:$0x0] =	sbarrier.arrive $0xFFFF  }
0x6d: {  	p0 =	sne.s32 s1, $0x0;
	_ =	strace $0x9000004A  }
0x6e: {  	s0 =	sadd.s32 @!p0 $0x100000, s0;
	[bflag:$0x2] =	sbarrier.arrive $0xFFFF  }
0x6f: {  	[sflag:s0] =	ssyncadd.tile.s32 @!p0 $0x1;
	_ =	shalt  }
.Lfunc_end2:
_tile_overlayer_lowered:
.L_overlay_start_2:
0x70: {  	(tag) =	ssettag $0x2  }
0x71: {  	s0 =	rddreg [dreg:$0x0];
	s2 =	stileid.u32  }
0x72: {  	s1 =	rddreg [dreg:$0x1];
	p0 =	sne.s32 s2, $0x0  }
0x73: {  	s3 =	rddreg [dreg:$0x2];
	[bflag:$0x3] =	sbarrier.arrive $0xFFFF;
	s2 =	simm.s32 @!p0 $0x1C05  }
0x74: {  	[timem:s3], [sflag:s2] =	dma.local @!p0 [hbm:s0], s1  }
0x75: {  	s0 =	simm.s32 @!p0 $0x5  }
0x76: {  	_ =	swait.ge @!p0 [sflag:s0], s1  }
0x77: {  	s1 =	ssub.s32 @!p0 $0x0, s1;
	[sflag:s0] =	ssyncset.done @!p0 $0x0  }
0x78: {  	[sflag:s0] =	ssyncadd.s32 @!p0 s1  }
0x79: {  	[bflag:$0x3] =	sbarrier.arrive $0xFFFF  }
0x7a: {  	_ =	shalt  }

// kernel: kernel.14.cloned.1.call-start
scs
__scs_entry_jumppad:
0x0: {  	(pc) =	sbr.rel $0x88, $3  }
0x1: {  	(tag) =	ssettag $0x0;
	lr =	simm.s32 $0x1  }
0x2: {  	[smem:$0x3F99] =	sst lr;
	_ =	strace $0xD0000000  }
0x3: {  	_ = 	snop  }
0x4: {  	_ = 	snop  }
0x5: {  	_ = 	snop  }
0x6: {  	_ = 	snop  }
0x7: {  	_ = 	snop  }
__scs_overlays_trampoline_lowered:
0x8: {  	[smem:$0x3FA8] =	sst s0  }
0x9: {  	[smem:$0x3FA9] =	sst s1  }
0xa: {  	[smem:$0x3FAA] =	sst s2  }
0xb: {  	[smem:$0x3FAB] =	sst s3  }
0xc: {  	[smem:$0x3FAC] =	sst s4  }
0xd: {  	[smem:$0x3FAD] =	sst s5  }
0xe: {  	[smem:$0x3FAE] =	sst s6  }
0xf: {  	[smem:$0x3FAF] =	sst s7  }
0x10: {  	[smem:$0x3FB0] =	sst s8  }
0x11: {  	[smem:$0x3FB1] =	sst s9;
	s0 =	simm.s32 @!p0 $0x0  }
0x12: {  	s1 =	sld [smem:$0x3F97];
	s0 =	simm.s32 @p0 $0x1  }
0x13: {  	[smem:$0x3FB2] =	sst s0;
	s0 =	simm.s32 @!p1 $0x0  }
0x14: {  	s2 =	sld [smem:$0x3F96];
	s0 =	simm.s32 @p1 $0x1  }
0x15: {  	[smem:$0x3FB3] =	sst s0;
	s0 =	simm.s32 @!p2 $0x0  }
0x16: {  	s3 =	sld [smem:$0x3FDB];
	s0 =	simm.s32 @p2 $0x1  }
0x17: {  	s4 =	simm.s32 $0x1BF5;
	[smem:$0x3FB5] =	sst s0  }
0x18: {  	s0 =	sld [smem:$0x3F98];
	_ =	swait.ge [sflag:s4], $0x0  }
0x19: {  	s7 =	sld [smem:$0x3F99]  }
0x1a: {  	s8 =	sadd.s32 $0xFFFFE003, lr  }
0x1b: {  	s9 =	sadd.s32 $0xFFFFFEF7, lr;
	s5 =	simm.s32 $0xFFFFFFFF;
	p2 =	slt.u32 s8, $0xFFFFF086  }
0x1c: {  	p1 =	slt.u32 s9, $0xF7A;
	s5 =	simm.s32 @!p2 $0x0  }
0x1d: {  	s5 =	simm.s32 @p1 $0x1;
	p0 =	seq.s32 s7, s2  }
0x1e: {  	s7 =	smul.u32 @!p0 $0xF7A, s2;
	p2 =	seq.s32 @!p0 s5, $0x0  }
0x1f: {  	s9 =	smul.u32 $0xF7A, s1;
	s8 =	simm.s32 @!p0 $0x1BF5;
	p2 =	por !p2, p0  }
0x20: {  	[sflag:s8] =	ssyncset.s32 @!p0 $0xFFFFF086;
	s6 =	sadd.s32 @!p0 s3, s7;
	s7 =	simm.s32 @!p0 $0x108  }
0x21: {  	s3 =	sadd.s32 s3, s9;
	s6 =	sadd.s32 @!p0 $0x88, s6;
	s7 =	simm.s32 @p2 $0x1082  }
0x22: {  	[simem:s7], [sflag:s8] =	dma.local @!p0 [hbm:s6], $0xF7A  }
0x23: {  	s9 =	sor.u32 $0xD0000000, s2;
	s6 =	simm.s32 $0x108;
	_ =	swait.ge @!p0 [sflag:s8], $0x0  }
0x24: {  	s3 =	sadd.s32 $0x88, s3;
	s6 =	simm.s32 @!p1 $0x1082;
	[sflag:s4] =	ssyncset.s32 $0xFFFFF086  }
0x25: {  	[simem:s6], [sflag:s4] =	dma.local [hbm:s3], $0xF7A  }
0x26: {  	[smem:$0x3F99] =	sst s1;
	(tag) =	ssettag s2;
	_ =	strace s9  }
0x27: {  	s1 =	sld [smem:$0x3FA9]  }
0x28: {  	s2 =	sld [smem:$0x3FAA]  }
0x29: {  	s4 =	sld [smem:$0x3FAC]  }
0x2a: {  	p0 =	seq.s32 s5, $0x0;
	s5 =	sld [smem:$0x3FAD]  }
0x2b: {  	s6 =	sld [smem:$0x3FAE]  }
0x2c: {  	s7 =	sld [smem:$0x3FAF]  }
0x2d: {  	s3 =	simm.s32 $0x108;
	s8 =	sld [smem:$0x3FB0]  }
0x2e: {  	s3 =	simm.s32 @!p0 $0x1082;
	s9 =	sld [smem:$0x3FB1]  }
0x2f: {  	lr =	sadd.s32 s0, s3;
	s0 =	sld [smem:$0x3FA8]  }
0x30: {  	s3 =	sld [smem:$0x3FAB]  }
0x31: {  	[smem:$0x3FB4] =	sst s10  }
0x32: {  	s10 =	sld [smem:$0x3FB2];
	_ =	sdelay $0x3  }
0x33: {  	p0 =	seq.s32 s10, $0x1;
	s10 =	sld [smem:$0x3FB4];
	_ =	sdelay $0x3  }
0x34: {  	[smem:$0x3FB4] =	sst s10  }
0x35: {  	s10 =	sld [smem:$0x3FB3];
	_ =	sdelay $0x3  }
0x36: {  	p1 =	seq.s32 s10, $0x1;
	s10 =	sld [smem:$0x3FB4];
	_ =	sdelay $0x3  }
0x37: {  	[smem:$0x3FB4] =	sst s10  }
0x38: {  	s10 =	sld [smem:$0x3FB5]  }
0x39: {  	_ = 	snop;
	(pc) =	sbr.ind lr, $3  }
0x3a: {  	_ = 	snop  }
0x3b: {  	_ = 	snop  }
0x3c: {  	p2 =	seq.s32 s10, $0x1;
	s10 =	sld [smem:$0x3FB4]  }
0x3d: {  	_ =	shalt  }
0x3e: {  	_ =	shalt  }
0x3f: {  	_ =	shalt  }
0x40: {  	_ =	shalt  }
0x41: {  	_ =	shalt  }
0x42: {  	_ =	shalt  }
0x43: {  	_ =	shalt  }
0x44: {  	_ =	shalt  }
0x45: {  	_ =	shalt  }
0x46: {  	_ =	shalt  }
0x47: {  	_ =	shalt  }
0x48: {  	_ =	shalt  }
0x49: {  	_ =	shalt  }
0x4a: {  	_ =	shalt  }
0x4b: {  	_ =	shalt  }
0x4c: {  	_ =	shalt  }
0x4d: {  	_ =	shalt  }
0x4e: {  	_ =	shalt  }
0x4f: {  	_ =	shalt  }
0x50: {  	_ =	shalt  }
0x51: {  	_ =	shalt  }
0x52: {  	_ =	shalt  }
0x53: {  	_ =	shalt  }
0x54: {  	_ =	shalt  }
0x55: {  	_ =	shalt  }
0x56: {  	_ =	shalt  }
0x57: {  	_ =	shalt  }
0x58: {  	_ =	shalt  }
0x59: {  	_ =	shalt  }
0x5a: {  	_ =	shalt  }
0x5b: {  	_ =	shalt  }
0x5c: {  	_ =	shalt  }
0x5d: {  	_ =	shalt  }
0x5e: {  	_ =	shalt  }
0x5f: {  	_ =	shalt  }
0x60: {  	_ =	shalt  }
0x61: {  	_ =	shalt  }
0x62: {  	_ =	shalt  }
0x63: {  	_ =	shalt  }
0x64: {  	_ =	shalt  }
0x65: {  	_ =	shalt  }
0x66: {  	_ =	shalt  }
0x67: {  	_ =	shalt  }
0x68: {  	_ =	shalt  }
0x69: {  	_ =	shalt  }
0x6a: {  	_ =	shalt  }
0x6b: {  	_ =	shalt  }
0x6c: {  	_ =	shalt  }
0x6d: {  	_ =	shalt  }
0x6e: {  	_ =	shalt  }
0x6f: {  	_ =	shalt  }
0x70: {  	_ =	shalt  }
0x71: {  	_ =	shalt  }
0x72: {  	_ =	shalt  }
0x73: {  	_ =	shalt  }
0x74: {  	_ =	shalt  }
0x75: {  	_ =	shalt  }
0x76: {  	_ =	shalt  }
0x77: {  	_ =	shalt  }
0x78: {  	_ =	shalt  }
0x79: {  	_ =	shalt  }
0x7a: {  	_ =	shalt  }
0x7b: {  	_ =	shalt  }
0x7c: {  	_ =	shalt  }
0x7d: {  	_ =	shalt  }
0x7e: {  	_ =	shalt  }
0x7f: {  	_ =	shalt  }
0x80: {  	_ =	shalt  }
0x81: {  	_ =	shalt  }
0x82: {  	_ =	shalt  }
0x83: {  	_ =	shalt  }
0x84: {  	_ =	shalt  }
0x85: {  	_ =	shalt  }
0x86: {  	_ =	shalt  }
0x87: {  	_ =	shalt  }
.Lfunc_end0:
.L_simem_size_0:
called_computation.2_lowered:
.L_overlay_start_0:
0x88: {  	s2 =	sld [smem:$0x3FD9]  }
0x89: {  	s3 =	sld [smem:$0x3FFE];
	_ =	sdelay $0x1  }
0x8a: {  	s1 =	srdreg.scid  }
0x8b: {  	s0 =	sand.u32 $0x1, s1  }
0x8c: {  	s16 =	sshll.u32 s0, $0xA;
	s2 =	sadd.s32 s3, s2  }
0x8d: {  	s2 =	sadd.s32 s2, s16  }
0x8e: {  	[smem:$0x3FC0] =	sst s2  }
0x8f: {  	_ = 	snop  }
0x90: {  	(tm) =	ssettm $0x1  }
0x91: {  	s17 =	sld [smem:$0x3FFB];
	_ =	sdelay $0x3  }
0x92: {  	_ =	strace s17  }
0x93: {  	s2 =	sld [smem:$0x3FFC];
	_ =	sdelay $0x3  }
0x94: {  	_ =	strace s2  }
0x95: {  	s2 =	sld [smem:$0x3FFD];
	_ =	sdelay $0x3  }
0x96: {  	_ =	strace s2  }
0x97: {  	_ =	strace $0x8FFFFFFF  }
0x98: {  	s18 =	sld [smem:$0x3FDB];
	_ =	sdelay $0x1  }
0x99: {  	s19 =	simm.s32 $_scs_section_size  }
0x9a: {  	s4 =	simm.s32 $_size__tile_overlayer_lowered;
	s5 =	simm.s32 $_tile_overlayer_lowered  }
0x9b: {  	s22 =	simm.s32 $0x1BFF;
	s21 =	sshll.u32 s5, $0x1;
	s2 =	sadd.s32 s19, s18  }
0x9c: {  	s6 =	simm.s32 $0x0;
	s20 =	sshll.u32 s4, $0x1;
	s4 =	sadd.s32 s21, s2  }
0x9d: {  	[timem:s6], [sflag:s22] =	dma.local [hbm:s4], s20  }
0x9e: {  	_ =	swait.ge [sflag:s22], s20  }
0x9f: {  	s3 =	ssub.s32 $0x0, s20;
	[sflag:s22] =	ssyncset.done $0x0  }
0xa0: {  	[sflag:s22] =	ssyncadd.s32 s3;
	_ =	sdelay $0x1  }
0xa1: {  	s23 =	simm.s32 $0x1B8B  }
0xa2: {  	_ =	swait.ge [sflag:s23], $0x1  }
0xa3: {  	[sflag:s23] =	ssyncset.done $0x0  }
0xa4: {  	s25 =	simm.s32 $0x1B8E;
	s24 =	sld [smem:$0x3FFE];
	[sflag:s23] =	ssyncadd.s32 $0xFFFFFFFF  }
0xa5: {  	s26 =	simm.s32 $execute0_lowered;
	[smem:$0x3FD2] =	sst s25  }
0xa6: {  	s4 =	sshll.u32 s26, $0x1;
	_ =	strace $0x8000004C;
	[dreg:$0x1] =	wrdreg $0xFFFFFFFF  }
0xa7: {  	s28 =	simm.s32 $_size_execute0_lowered;
	s2 =	sadd.s32 s2, s4;
	[dreg:$0x0] =	wrdreg $0x0  }
0xa8: {  	s4 =	sshll.u32 s28, $0x1;
	[dreg:$0x2] =	wrdreg s2  }
0xa9: {  	[dreg:$0x3] =	wrdreg s4  }
0xaa: {  	[dreg:$0x4] =	wrdreg $0xC0  }
0xab: {  	_ =	task [dreg:s6], $0x5FFFF  }
0xac: {  	[dreg:$0x1] =	wrdreg $0xFFFFFFFF  }
0xad: {  	[dreg:$0x0] =	wrdreg $0x60  }
0xae: {  	[dreg:$0x2] =	wrdreg s24  }
0xaf: {  	[dreg:$0x3] =	wrdreg $0x90000  }
0xb0: {  	[dreg:$0x4] =	wrdreg $0x9  }
0xb1: {  	_ =	task.clear_ibuf [dreg:s6], $0x5FFFF;
	_ =	strace $0x9000004C  }
0xb2: {  	s29 =	simm.s32 $0x9;
	_ =	strace $0x8000004E  }
0xb3: {  	_ =	swait.ge [sflag:s29], $0x1  }
0xb4: {  	[sflag:s29] =	ssyncadd.s32 $0xFFFFFFFF  }
0xb5: {  	_ =	strace $0x9000004E  }
0xb6: {  	_ =	sfence  }
0xb7: {  	s30 =	sld [smem:$0x0];
	_ =	sdelay $0x2  }
0xb8: {  	s31 =	sshll.u32 s1, $0xD;
	s1 =	sshrl.u32 s1, $0x2  }
0xb9: {  	s3 =	sand.u32 $0x4000, s31;
	s1 =	sadd.s32 s1, s30  }
0xba: {  	s0 =	sor.u32 s3, s0;
	s1 =	sshll.u32 s1, $0x11  }
0xbb: {  	s0 =	sor.u32 s1, s0  }
0xbc: {  	s0 =	sadd.s32 $0x8F2B, s0  }
0xbd: {  	[sflag:s0] =	ssyncadd.remote.s32 $0x1  }
0xbe: {  	_ =	sfence.sel $0xFFFF  }
0xbf: {  	[dreg:$0x0] =	wrdreg $0xFFFFFFFF;
	(pc) =	sbr.abs _section_cstart, $3  }
0xc0: {  	[dreg:$0x1] =	wrdreg $0xFFFFFFFF  }
0xc1: {  	_ =	task.clear_ibuf [dreg:s6], $0x2FFFF;
	_ =	strace $0x9FFFFFFF  }
0xc2: {  	(tm) =	ssettm $0x7FFFFFFF  }
0xc3: {  	_ =	shalt  }
tec
execute0_lowered:
.L_overlay_start_1:
0x0: {  	(tag) =	ssettag $0x1  }
0x1: {  	s5 =	rddreg [dreg:$0x0]  }
0x2: {  	s2 =	rddreg [dreg:$0x1]  }
0x3: {  	s0 =	rddreg [dreg:$0x2]  }
0x4: {  	s4 =	srdreg.scid;
	s1 =	stileid.u32  }
0x5: {  	s3 =	simm.s32 $0x0;
	s12 =	simm.s32 $0x5;
	s13 =	simm.s32 $0x2800  }
0x6: {  	s14 =	simm.s32 $0x20;
	s15 =	simm.s32 $0x5000;
	s16 =	simm.s32 $0x6000  }
0x7: {  	s17 =	simm.s32 $0x7000;
	s18 =	simm.s32 $0x8000;
	s19 =	simm.s32 $0x1  }
0x8: {  	s20 =	simm.s32 $0x2;
	s21 =	simm.s32 $0x3;
	s22 =	simm.s32 $0x4  }
0x9: {  	s23 =	simm.s32 $0x80;
	s24 =	simm.s32 $0x0;
	s6 =	sand.u32 $0x1, s4  }
0xa: {  	s7 =	smul.u32 $0x13C00, s1;
	[smem:$0x7FF] =	sst s3;
	s8 =	sshll.u32 s1, $0x1  }
0xb: {  	s4 =	sadd.s32 $0xCA00, s5;
	s11 =	smul.u32 $0x4F000, s1;
	s31 =	sshll.u32 s1, $0x6  }
0xc: {  	s9 =	smul.u32 $0x13C000, s6;
	s8 =	sor.u32 s6, s8;
	s6 =	ssub.s32 $0x2, s6  }
0xd: {  	_ =	strace $0x8000004D;
	s8 =	smul.u32 $0x500, s8;
	s10 =	sshrl.u32 s6, $0x1  }
0xe: {  	s29 =	sshrl.u32 s11, $0x2;
	s30 =	sshrl.u32 s7, $0x3;
	s9 =	sadd.s32 s7, s9  }
0xf: {  	s10 =	ssub.s32 s6, s10;
	s11 =	sadd.s32 s29, s2;
	s6 =	sor.u32 $0x1C05, s31  }
0x10: {  	s9 =	sshrl.u32 s9, $0x3;
	s8 =	sadd.s32 s8, s5;
	s10 =	smax.u32 s10, $0x1  }
0x11: {  	s11 =	sshrl.u32 s11, $0x3;
	s9 =	sadd.s32 s9, s5;
	s5 =	sadd.s32 s4, s30  }
0x12: {  	s7 =	sadd.s32 $0x83200, s8;
	s8 =	sadd.s32 $0x2A00, s8;
	s9 =	sadd.s32 $0x34200, s9  }
.LBB2_1:
0x13: {  	[spmem:s11], [sflag:s6] =	dma.local [hbm:s5], $0x2780  }
0x14: {  	_ =	swait.ge [sflag:s12], $0x2780  }
0x15: {  	[sflag:s12] =	ssyncset.done $0x0  }
0x16: {  	[sflag:s12] =	ssyncadd.s32 $0xFFFFD880  }
0x17: {  	[bflag:$0x0] =	sbarrier.arrive $0xFFFF  }
0x18: {  	[tilespmem:s3], [sflag:$0x5] =	stream.linear.gather [hbm4b:s7+s3], $0x2780, $0x38;
	[tilespmem:$0x1CC00] =	vst v63  }
0x19: {  	_ =	swait.ge [sflag:s12], $0x2780  }
0x1a: {  	[sflag:s12] =	ssyncset.done $0x0  }
0x1b: {  	[sflag:s12] =	ssyncadd.s32 $0xFFFFD880  }
0x1c: {  	[tilespmem:s13], [sflag:$0x5] =	stream.linear.gather [hbm4b:s8+s3], $0x2780, $0x38;
	[tilespmem:$0x1CC00] =	vst v63  }
0x1d: {  	_ =	swait.ge [sflag:s12], $0x2780  }
0x1e: {  	[sflag:s12] =	ssyncset.done $0x0  }
0x1f: {  	s25 =	simm.s32 $0x0;
	[sflag:s12] =	ssyncadd.s32 $0xFFFFD880  }
0x20: {  	[tilespmem:s15], [sflag:$0x1] =	stream.indirect.gather [hbm4b:s4+s14], $0x80, s25, s14, $0xb8;
	[tilespmem:$0x1CC00] =	vst v63  }
0x21: {  	s28 =	simm.s32 $0x20  }
0x22: {  	[tilespmem:s16], [sflag:$0x2] =	stream.indirect.gather [hbm4b:s4+s14], $0x80, s28, s14, $0xb8;
	[tilespmem:$0x1CC00] =	vst v63  }
0x23: {  	s29 =	simm.s32 $0x40  }
0x24: {  	[tilespmem:s17], [sflag:$0x3] =	stream.indirect.gather [hbm4b:s4+s14], $0x80, s29, s14, $0xb8;
	[tilespmem:$0x1CC00] =	vst v63  }
0x25: {  	s30 =	simm.s32 $0x60  }
0x26: {  	[tilespmem:s18], [sflag:$0x4] =	stream.indirect.gather [hbm4b:s4+s14], $0x80, s30, s14, $0xb8;
	[tilespmem:$0x1CC00] =	vst v63  }
0x27: {  	_ =	swait.ge [sflag:s19], $0x1000  }
0x28: {  	[sflag:s19] =	ssyncset.done $0x0  }
0x29: {  	[sflag:s19] =	ssyncadd.s32 $0xFFFFF000  }
0x2a: {  	_ =	swait.ge [sflag:s20], $0x1000  }
0x2b: {  	[sflag:s20] =	ssyncset.done $0x0  }
0x2c: {  	[sflag:s20] =	ssyncadd.s32 $0xFFFFF000  }
0x2d: {  	_ =	swait.ge [sflag:s21], $0x1000  }
0x2e: {  	[sflag:s21] =	ssyncset.done $0x0  }
0x2f: {  	[sflag:s21] =	ssyncadd.s32 $0xFFFFF000  }
0x30: {  	_ =	swait.ge [sflag:s22], $0x1000  }
0x31: {  	[sflag:s22] =	ssyncset.done $0x0  }
0x32: {  	s31 =	simm.s32 $0x2800;
	[sflag:s22] =	ssyncadd.s32 $0xFFFFF000  }
0x33: {  	[spmem:s2] =	stream.indirect.scatter.add.f32 [tilespmem:s15], [sflag:$0x5], $0x80, s31, s23, $0xb8;
	[tilespmem:$0x1CC00] =	vst v63  }
0x34: {  	_ =	swait.ge [sflag:s12], $0x4000  }
0x35: {  	s26 =	simm.s32 $0x400;
	s25 =	simm.s32 $0x200;
	[sflag:s12] =	ssyncset.done $0x0  }
.LBB2_2:
0x36: {  	s28 =	sshra.s32 s25, $0x2  }
0x37: {  	[sflag:s12] =	ssyncadd.s32 $0xFFFFC000;
	s25 =	smov.u32 s26;
	s29 =	sadd.s32 $0x200, s26  }
0x38: {  	[tilespmem:s15], [sflag:$0x1] =	stream.indirect.gather [hbm4b:s4+s14], $0x80, s28, s14, $0xb8;
	[tilespmem:$0x1CC00] =	vst v63  }
0x39: {  	p0 =	sne.s32 s26, $0x9C00;
	s26 =	sadd.s32 $0x20, s28  }
0x3a: {  	[tilespmem:s16], [sflag:$0x2] =	stream.indirect.gather [hbm4b:s4+s14], $0x80, s26, s14, $0xb8;
	[tilespmem:$0x1CC00] =	vst v63  }
0x3b: {  	s26 =	sadd.s32 $0x40, s28  }
0x3c: {  	[tilespmem:s17], [sflag:$0x3] =	stream.indirect.gather [hbm4b:s4+s14], $0x80, s26, s14, $0xb8;
	[tilespmem:$0x1CC00] =	vst v63  }
0x3d: {  	s26 =	sadd.s32 $0x60, s28  }
0x3e: {  	[tilespmem:s18], [sflag:$0x4] =	stream.indirect.gather [hbm4b:s4+s14], $0x80, s26, s14, $0xb8;
	[tilespmem:$0x1CC00] =	vst v63  }
0x3f: {  	_ =	swait.ge [sflag:s19], $0x1000  }
0x40: {  	[sflag:s19] =	ssyncset.done $0x0  }
0x41: {  	[sflag:s19] =	ssyncadd.s32 $0xFFFFF000  }
0x42: {  	_ =	swait.ge [sflag:s20], $0x1000  }
0x43: {  	[sflag:s20] =	ssyncset.done $0x0  }
0x44: {  	[sflag:s20] =	ssyncadd.s32 $0xFFFFF000  }
0x45: {  	_ =	swait.ge [sflag:s21], $0x1000  }
0x46: {  	[sflag:s21] =	ssyncset.done $0x0  }
0x47: {  	[sflag:s21] =	ssyncadd.s32 $0xFFFFF000  }
0x48: {  	_ =	swait.ge [sflag:s22], $0x1000  }
.Ltmp0:
0x49: {  	[sflag:s22] =	ssyncset.done $0x0;
	(pc) =	sbr.rel @p0 .LBB2_2-.Ltmp0, $4  }
0x4a: {  	s26 =	sadd.s32 $0x2800, s28;
	[sflag:s22] =	ssyncadd.s32 $0xFFFFF000  }
0x4b: {  	[spmem:s2] =	stream.indirect.scatter.add.f32 [tilespmem:s15], [sflag:$0x5], $0x80, s26, s23, $0xb8;
	[tilespmem:$0x1CC00] =	vst v63  }
0x4c: {  	_ =	swait.ge [sflag:s12], $0x4000  }
0x4d: {  	s26 =	smov.u32 s29;
	[sflag:s12] =	ssyncset.done $0x0  }
0x4e: {  	s25 =	sshra.s32 s25, $0x2;
	[sflag:s12] =	ssyncadd.s32 $0xFFFFC000  }
0x4f: {  	[tilespmem:s15], [sflag:$0x1] =	stream.indirect.gather [hbm4b:s4+s14], $0x80, s25, s14, $0xb8;
	[tilespmem:$0x1CC00] =	vst v63  }
0x50: {  	s26 =	sadd.s32 $0x20, s25  }
0x51: {  	[tilespmem:s16], [sflag:$0x2] =	stream.indirect.gather [hbm4b:s4+s14], $0x80, s26, s14, $0xb8;
	[tilespmem:$0x1CC00] =	vst v63  }
0x52: {  	s30 =	sadd.s32 $0x40, s25  }
0x53: {  	[tilespmem:s17], [sflag:$0x3] =	stream.indirect.gather [hbm4b:s4+s14], $0x80, s30, s14, $0xb8;
	[tilespmem:$0x1CC00] =	vst v63  }
0x54: {  	s31 =	sadd.s32 $0x60, s25  }
0x55: {  	[tilespmem:s18], [sflag:$0x4] =	stream.indirect.gather [hbm4b:s4+s14], $0x80, s31, s14, $0xb8;
	[tilespmem:$0x1CC00] =	vst v63  }
0x56: {  	_ =	swait.ge [sflag:s19], $0x1000  }
0x57: {  	[sflag:s19] =	ssyncset.done $0x0  }
0x58: {  	[sflag:s19] =	ssyncadd.s32 $0xFFFFF000  }
0x59: {  	_ =	swait.ge [sflag:s20], $0x1000  }
0x5a: {  	[sflag:s20] =	ssyncset.done $0x0  }
0x5b: {  	[sflag:s20] =	ssyncadd.s32 $0xFFFFF000  }
0x5c: {  	_ =	swait.ge [sflag:s21], $0x1000  }
0x5d: {  	[sflag:s21] =	ssyncset.done $0x0  }
0x5e: {  	[sflag:s21] =	ssyncadd.s32 $0xFFFFF000  }
0x5f: {  	_ =	swait.ge [sflag:s22], $0x1000  }
0x60: {  	[sflag:s22] =	ssyncset.done $0x0  }
0x61: {  	s25 =	sadd.s32 $0x2800, s25;
	[sflag:s22] =	ssyncadd.s32 $0xFFFFF000  }
0x62: {  	[spmem:s2] =	stream.indirect.scatter.add.f32 [tilespmem:s15], [sflag:$0x5], $0x80, s25, s23, $0xb8;
	[tilespmem:$0x1CC00] =	vst v63  }
0x63: {  	_ =	swait.ge [sflag:s12], $0x4000  }
0x64: {  	s24 =	sadd.s32 $0x1, s24;
	[sflag:s12] =	ssyncset.done $0x0  }
0x65: {  	p0 =	sne.s32 s24, s10;
	[sflag:s12] =	ssyncadd.s32 $0xFFFFC000  }
.Ltmp1:
0x66: {  	[bflag:$0x0] =	sbarrier.arrive $0xFFFF;
	(pc) =	sbr.rel @p0 .LBB2_1-.Ltmp1, $4  }
0x67: {  	[hbm:s9], [sflag:s6] =	dma.local [spmem:s11], $0x2780  }
0x68: {  	_ =	swait.ge [sflag:s12], $0x2780  }
0x69: {  	[sflag:s12] =	ssyncset.done $0x0  }
0x6a: {  	[sflag:s12] =	ssyncadd.s32 $0xFFFFD880  }
0x6b: {  	_ =	sfence.sel $0x180000  }
0x6c: {  	[bflag:$0x0] =	sbarrier.arrive $0xFFFF  }
0x6d: {  	p0 =	sne.s32 s1, $0x0;
	_ =	strace $0x9000004D  }
0x6e: {  	s0 =	sadd.s32 @!p0 $0x100000, s0;
	[bflag:$0x2] =	sbarrier.arrive $0xFFFF  }
0x6f: {  	[sflag:s0] =	ssyncadd.tile.s32 @!p0 $0x1;
	_ =	shalt  }
.Lfunc_end2:
_tile_overlayer_lowered:
.L_overlay_start_2:
0x70: {  	(tag) =	ssettag $0x2  }
0x71: {  	s0 =	rddreg [dreg:$0x0];
	s2 =	stileid.u32  }
0x72: {  	s1 =	rddreg [dreg:$0x1];
	p0 =	sne.s32 s2, $0x0  }
0x73: {  	s3 =	rddreg [dreg:$0x2];
	[bflag:$0x3] =	sbarrier.arrive $0xFFFF;
	s2 =	simm.s32 @!p0 $0x1C05  }
0x74: {  	[timem:s3], [sflag:s2] =	dma.local @!p0 [hbm:s0], s1  }
0x75: {  	s0 =	simm.s32 @!p0 $0x5  }
0x76: {  	_ =	swait.ge @!p0 [sflag:s0], s1  }
0x77: {  	s1 =	ssub.s32 @!p0 $0x0, s1;
	[sflag:s0] =	ssyncset.done @!p0 $0x0  }
0x78: {  	[sflag:s0] =	ssyncadd.s32 @!p0 s1  }
0x79: {  	[bflag:$0x3] =	sbarrier.arrive $0xFFFF  }
0x7a: {  	_ =	shalt  }

// kernel: kernel.8.cloned.1.call-start
scs
__scs_entry_jumppad:
0x0: {  	(pc) =	sbr.rel $0x88, $3  }
0x1: {  	(tag) =	ssettag $0x0;
	lr =	simm.s32 $0x1  }
0x2: {  	[smem:$0x3F99] =	sst lr;
	_ =	strace $0xD0000000  }
0x3: {  	_ = 	snop  }
0x4: {  	_ = 	snop  }
0x5: {  	_ = 	snop  }
0x6: {  	_ = 	snop  }
0x7: {  	_ = 	snop  }
__scs_overlays_trampoline_lowered:
0x8: {  	[smem:$0x3FA8] =	sst s0  }
0x9: {  	[smem:$0x3FA9] =	sst s1  }
0xa: {  	[smem:$0x3FAA] =	sst s2  }
0xb: {  	[smem:$0x3FAB] =	sst s3  }
0xc: {  	[smem:$0x3FAC] =	sst s4  }
0xd: {  	[smem:$0x3FAD] =	sst s5  }
0xe: {  	[smem:$0x3FAE] =	sst s6  }
0xf: {  	[smem:$0x3FAF] =	sst s7  }
0x10: {  	[smem:$0x3FB0] =	sst s8  }
0x11: {  	[smem:$0x3FB1] =	sst s9;
	s0 =	simm.s32 @!p0 $0x0  }
0x12: {  	s1 =	sld [smem:$0x3F97];
	s0 =	simm.s32 @p0 $0x1  }
0x13: {  	[smem:$0x3FB2] =	sst s0;
	s0 =	simm.s32 @!p1 $0x0  }
0x14: {  	s2 =	sld [smem:$0x3F96];
	s0 =	simm.s32 @p1 $0x1  }
0x15: {  	[smem:$0x3FB3] =	sst s0;
	s0 =	simm.s32 @!p2 $0x0  }
0x16: {  	s3 =	sld [smem:$0x3FDB];
	s0 =	simm.s32 @p2 $0x1  }
0x17: {  	s4 =	simm.s32 $0x1BF5;
	[smem:$0x3FB5] =	sst s0  }
0x18: {  	s0 =	sld [smem:$0x3F98];
	_ =	swait.ge [sflag:s4], $0x0  }
0x19: {  	s7 =	sld [smem:$0x3F99]  }
0x1a: {  	s8 =	sadd.s32 $0xFFFFE003, lr  }
0x1b: {  	s9 =	sadd.s32 $0xFFFFFEF7, lr;
	s5 =	simm.s32 $0xFFFFFFFF;
	p2 =	slt.u32 s8, $0xFFFFF086  }
0x1c: {  	p1 =	slt.u32 s9, $0xF7A;
	s5 =	simm.s32 @!p2 $0x0  }
0x1d: {  	s5 =	simm.s32 @p1 $0x1;
	p0 =	seq.s32 s7, s2  }
0x1e: {  	s7 =	smul.u32 @!p0 $0xF7A, s2;
	p2 =	seq.s32 @!p0 s5, $0x0  }
0x1f: {  	s9 =	smul.u32 $0xF7A, s1;
	s8 =	simm.s32 @!p0 $0x1BF5;
	p2 =	por !p2, p0  }
0x20: {  	[sflag:s8] =	ssyncset.s32 @!p0 $0xFFFFF086;
	s6 =	sadd.s32 @!p0 s3, s7;
	s7 =	simm.s32 @!p0 $0x108  }
0x21: {  	s3 =	sadd.s32 s3, s9;
	s6 =	sadd.s32 @!p0 $0x88, s6;
	s7 =	simm.s32 @p2 $0x1082  }
0x22: {  	[simem:s7], [sflag:s8] =	dma.local @!p0 [hbm:s6], $0xF7A  }
0x23: {  	s9 =	sor.u32 $0xD0000000, s2;
	s6 =	simm.s32 $0x108;
	_ =	swait.ge @!p0 [sflag:s8], $0x0  }
0x24: {  	s3 =	sadd.s32 $0x88, s3;
	s6 =	simm.s32 @!p1 $0x1082;
	[sflag:s4] =	ssyncset.s32 $0xFFFFF086  }
0x25: {  	[simem:s6], [sflag:s4] =	dma.local [hbm:s3], $0xF7A  }
0x26: {  	[smem:$0x3F99] =	sst s1;
	(tag) =	ssettag s2;
	_ =	strace s9  }
0x27: {  	s1 =	sld [smem:$0x3FA9]  }
0x28: {  	s2 =	sld [smem:$0x3FAA]  }
0x29: {  	s4 =	sld [smem:$0x3FAC]  }
0x2a: {  	p0 =	seq.s32 s5, $0x0;
	s5 =	sld [smem:$0x3FAD]  }
0x2b: {  	s6 =	sld [smem:$0x3FAE]  }
0x2c: {  	s7 =	sld [smem:$0x3FAF]  }
0x2d: {  	s3 =	simm.s32 $0x108;
	s8 =	sld [smem:$0x3FB0]  }
0x2e: {  	s3 =	simm.s32 @!p0 $0x1082;
	s9 =	sld [smem:$0x3FB1]  }
0x2f: {  	lr =	sadd.s32 s0, s3;
	s0 =	sld [smem:$0x3FA8]  }
0x30: {  	s3 =	sld [smem:$0x3FAB]  }
0x31: {  	[smem:$0x3FB4] =	sst s10  }
0x32: {  	s10 =	sld [smem:$0x3FB2];
	_ =	sdelay $0x3  }
0x33: {  	p0 =	seq.s32 s10, $0x1;
	s10 =	sld [smem:$0x3FB4];
	_ =	sdelay $0x3  }
0x34: {  	[smem:$0x3FB4] =	sst s10  }
0x35: {  	s10 =	sld [smem:$0x3FB3];
	_ =	sdelay $0x3  }
0x36: {  	p1 =	seq.s32 s10, $0x1;
	s10 =	sld [smem:$0x3FB4];
	_ =	sdelay $0x3  }
0x37: {  	[smem:$0x3FB4] =	sst s10  }
0x38: {  	s10 =	sld [smem:$0x3FB5]  }
0x39: {  	_ = 	snop;
	(pc) =	sbr.ind lr, $3  }
0x3a: {  	_ = 	snop  }
0x3b: {  	_ = 	snop  }
0x3c: {  	p2 =	seq.s32 s10, $0x1;
	s10 =	sld [smem:$0x3FB4]  }
0x3d: {  	_ =	shalt  }
0x3e: {  	_ =	shalt  }
0x3f: {  	_ =	shalt  }
0x40: {  	_ =	shalt  }
0x41: {  	_ =	shalt  }
0x42: {  	_ =	shalt  }
0x43: {  	_ =	shalt  }
0x44: {  	_ =	shalt  }
0x45: {  	_ =	shalt  }
0x46: {  	_ =	shalt  }
0x47: {  	_ =	shalt  }
0x48: {  	_ =	shalt  }
0x49: {  	_ =	shalt  }
0x4a: {  	_ =	shalt  }
0x4b: {  	_ =	shalt  }
0x4c: {  	_ =	shalt  }
0x4d: {  	_ =	shalt  }
0x4e: {  	_ =	shalt  }
0x4f: {  	_ =	shalt  }
0x50: {  	_ =	shalt  }
0x51: {  	_ =	shalt  }
0x52: {  	_ =	shalt  }
0x53: {  	_ =	shalt  }
0x54: {  	_ =	shalt  }
0x55: {  	_ =	shalt  }
0x56: {  	_ =	shalt  }
0x57: {  	_ =	shalt  }
0x58: {  	_ =	shalt  }
0x59: {  	_ =	shalt  }
0x5a: {  	_ =	shalt  }
0x5b: {  	_ =	shalt  }
0x5c: {  	_ =	shalt  }
0x5d: {  	_ =	shalt  }
0x5e: {  	_ =	shalt  }
0x5f: {  	_ =	shalt  }
0x60: {  	_ =	shalt  }
0x61: {  	_ =	shalt  }
0x62: {  	_ =	shalt  }
0x63: {  	_ =	shalt  }
0x64: {  	_ =	shalt  }
0x65: {  	_ =	shalt  }
0x66: {  	_ =	shalt  }
0x67: {  	_ =	shalt  }
0x68: {  	_ =	shalt  }
0x69: {  	_ =	shalt  }
0x6a: {  	_ =	shalt  }
0x6b: {  	_ =	shalt  }
0x6c: {  	_ =	shalt  }
0x6d: {  	_ =	shalt  }
0x6e: {  	_ =	shalt  }
0x6f: {  	_ =	shalt  }
0x70: {  	_ =	shalt  }
0x71: {  	_ =	shalt  }
0x72: {  	_ =	shalt  }
0x73: {  	_ =	shalt  }
0x74: {  	_ =	shalt  }
0x75: {  	_ =	shalt  }
0x76: {  	_ =	shalt  }
0x77: {  	_ =	shalt  }
0x78: {  	_ =	shalt  }
0x79: {  	_ =	shalt  }
0x7a: {  	_ =	shalt  }
0x7b: {  	_ =	shalt  }
0x7c: {  	_ =	shalt  }
0x7d: {  	_ =	shalt  }
0x7e: {  	_ =	shalt  }
0x7f: {  	_ =	shalt  }
0x80: {  	_ =	shalt  }
0x81: {  	_ =	shalt  }
0x82: {  	_ =	shalt  }
0x83: {  	_ =	shalt  }
0x84: {  	_ =	shalt  }
0x85: {  	_ =	shalt  }
0x86: {  	_ =	shalt  }
0x87: {  	_ =	shalt  }
.Lfunc_end0:
.L_simem_size_0:
called_computation_lowered:
.L_overlay_start_0:
0x88: {  	s2 =	sld [smem:$0x3FD9]  }
0x89: {  	s3 =	sld [smem:$0x3FFE];
	_ =	sdelay $0x1  }
0x8a: {  	s1 =	srdreg.scid  }
0x8b: {  	s0 =	sand.u32 $0x1, s1  }
0x8c: {  	s16 =	sshll.u32 s0, $0xA;
	s2 =	sadd.s32 s3, s2  }
0x8d: {  	s2 =	sadd.s32 s2, s16  }
0x8e: {  	[smem:$0x3FC0] =	sst s2  }
0x8f: {  	_ = 	snop  }
0x90: {  	(tm) =	ssettm $0x1  }
0x91: {  	s17 =	sld [smem:$0x3FFB];
	_ =	sdelay $0x3  }
0x92: {  	_ =	strace s17  }
0x93: {  	s2 =	sld [smem:$0x3FFC];
	_ =	sdelay $0x3  }
0x94: {  	_ =	strace s2  }
0x95: {  	s2 =	sld [smem:$0x3FFD];
	_ =	sdelay $0x3  }
0x96: {  	_ =	strace s2  }
0x97: {  	_ =	strace $0x8FFFFFFF  }
0x98: {  	s18 =	sld [smem:$0x3FDB];
	_ =	sdelay $0x1  }
0x99: {  	s19 =	simm.s32 $_scs_section_size  }
0x9a: {  	s4 =	simm.s32 $_size__tile_overlayer_lowered;
	s5 =	simm.s32 $_tile_overlayer_lowered  }
0x9b: {  	s22 =	simm.s32 $0x1BFF;
	s21 =	sshll.u32 s5, $0x1;
	s2 =	sadd.s32 s19, s18  }
0x9c: {  	s6 =	simm.s32 $0x0;
	s20 =	sshll.u32 s4, $0x1;
	s4 =	sadd.s32 s21, s2  }
0x9d: {  	[timem:s6], [sflag:s22] =	dma.local [hbm:s4], s20  }
0x9e: {  	_ =	swait.ge [sflag:s22], s20  }
0x9f: {  	s3 =	ssub.s32 $0x0, s20;
	[sflag:s22] =	ssyncset.done $0x0  }
0xa0: {  	[sflag:s22] =	ssyncadd.s32 s3;
	_ =	sdelay $0x1  }
0xa1: {  	s23 =	simm.s32 $0x1B8B  }
0xa2: {  	_ =	swait.ge [sflag:s23], $0x1  }
0xa3: {  	[sflag:s23] =	ssyncset.done $0x0  }
0xa4: {  	s25 =	simm.s32 $0x1B8E;
	s24 =	sld [smem:$0x3FFE];
	[sflag:s23] =	ssyncadd.s32 $0xFFFFFFFF  }
0xa5: {  	s26 =	simm.s32 $execute0_lowered;
	[smem:$0x3FD2] =	sst s25  }
0xa6: {  	s4 =	sshll.u32 s26, $0x1;
	_ =	strace $0x80000046;
	[dreg:$0x1] =	wrdreg $0xFFFFFFFF  }
0xa7: {  	s28 =	simm.s32 $_size_execute0_lowered;
	s2 =	sadd.s32 s2, s4;
	[dreg:$0x0] =	wrdreg $0x0  }
0xa8: {  	s4 =	sshll.u32 s28, $0x1;
	[dreg:$0x2] =	wrdreg s2  }
0xa9: {  	[dreg:$0x3] =	wrdreg s4  }
0xaa: {  	[dreg:$0x4] =	wrdreg $0xC0  }
0xab: {  	_ =	task [dreg:s6], $0x5FFFF  }
0xac: {  	[dreg:$0x1] =	wrdreg $0xFFFFFFFF  }
0xad: {  	[dreg:$0x0] =	wrdreg $0x60  }
0xae: {  	[dreg:$0x2] =	wrdreg s24  }
0xaf: {  	[dreg:$0x3] =	wrdreg $0x68000  }
0xb0: {  	[dreg:$0x4] =	wrdreg $0x9  }
0xb1: {  	_ =	task.clear_ibuf [dreg:s6], $0x5FFFF;
	_ =	strace $0x90000046  }
0xb2: {  	s29 =	simm.s32 $0x9;
	_ =	strace $0x80000048  }
0xb3: {  	_ =	swait.ge [sflag:s29], $0x1  }
0xb4: {  	[sflag:s29] =	ssyncadd.s32 $0xFFFFFFFF  }
0xb5: {  	_ =	strace $0x90000048  }
0xb6: {  	_ =	sfence  }
0xb7: {  	s30 =	sld [smem:$0x0];
	_ =	sdelay $0x2  }
0xb8: {  	s31 =	sshll.u32 s1, $0xD;
	s1 =	sshrl.u32 s1, $0x2  }
0xb9: {  	s3 =	sand.u32 $0x4000, s31;
	s1 =	sadd.s32 s1, s30  }
0xba: {  	s0 =	sor.u32 s3, s0;
	s1 =	sshll.u32 s1, $0x11  }
0xbb: {  	s0 =	sor.u32 s1, s0  }
0xbc: {  	s0 =	sadd.s32 $0x8F2B, s0  }
0xbd: {  	[sflag:s0] =	ssyncadd.remote.s32 $0x1  }
0xbe: {  	_ =	sfence.sel $0xFFFF  }
0xbf: {  	[dreg:$0x0] =	wrdreg $0xFFFFFFFF;
	(pc) =	sbr.abs _section_cstart, $3  }
0xc0: {  	[dreg:$0x1] =	wrdreg $0xFFFFFFFF  }
0xc1: {  	_ =	task.clear_ibuf [dreg:s6], $0x2FFFF;
	_ =	strace $0x9FFFFFFF  }
0xc2: {  	(tm) =	ssettm $0x7FFFFFFF  }
0xc3: {  	_ =	shalt  }
tec
execute0_lowered:
.L_overlay_start_1:
0x0: {  	(tag) =	ssettag $0x1  }
0x1: {  	s1 =	srdreg.scid;
	s5 =	rddreg [dreg:$0x0]  }
0x2: {  	s0 =	stileid.u32;
	s2 =	rddreg [dreg:$0x1]  }
0x3: {  	s3 =	simm.s32 $0x0;
	s13 =	simm.s32 $0x80;
	s14 =	simm.s32 $0x0  }
0x4: {  	s4 =	sand.u32 $0x1, s1;
	s30 =	sshll.u32 s0, $0x1;
	s7 =	smul.u32 $0x13C00, s0  }
0x5: {  	[smem:$0x7FF] =	sst s3;
	s10 =	smul.u32 $0x4F000, s0;
	s11 =	sshll.u32 s0, $0x6  }
0x6: {  	s1 =	sor.u32 s4, s30;
	s8 =	smul.u32 $0x13C000, s4;
	s9 =	ssub.s32 $0x2, s4  }
0x7: {  	s4 =	sadd.s32 $0xCA00, s5;
	s11 =	sor.u32 $0x1C01, s11;
	s6 =	smul.u32 $0x500, s1  }
0x8: {  	s1 =	rddreg [dreg:$0x2];
	_ =	strace $0x80000047;
	s31 =	sshrl.u32 s9, $0x1  }
0x9: {  	s10 =	sshrl.u32 s10, $0x2;
	s8 =	sadd.s32 s7, s8;
	s9 =	ssub.s32 s9, s31  }
0xa: {  	s7 =	sshrl.u32 s7, $0x3;
	s12 =	sadd.s32 s10, s2;
	s10 =	simm.s32 $0x2800  }
0xb: {  	s6 =	sadd.s32 s6, s5;
	s8 =	sshrl.u32 s8, $0x3;
	s12 =	sshrl.u32 s12, $0x3  }
0xc: {  	s8 =	sadd.s32 s8, s5;
	s5 =	sadd.s32 $0x2A00, s6;
	s6 =	sadd.s32 s4, s7  }
0xd: {  	s7 =	sadd.s32 $0x34200, s8;
	s8 =	smax.u32 s9, $0x1;
	s9 =	simm.s32 $0x1  }
.LBB2_1:
0xe: {  	[tilespmem:s3], [sflag:$0x1] =	stream.linear.gather [hbm4b:s5+s3], $0x2780, $0x38;
	[tilespmem:$0x1A400] =	vst v63  }
0xf: {  	_ =	swait.ge [sflag:s9], $0x2780  }
0x10: {  	[sflag:s9] =	ssyncset.done $0x0  }
0x11: {  	[sflag:s9] =	ssyncadd.s32 $0xFFFFD880  }
0x12: {  	[tilespmem:s10], [sflag:$0x1] =	stream.linear.gather [hbm4b:s4+s3], $0x4000, $0x38;
	[tilespmem:$0x1A400] =	vst v63  }
0x13: {  	_ =	swait.ge [sflag:s9], $0x4000  }
0x14: {  	[sflag:s9] =	ssyncset.done $0x0  }
0x15: {  	[sflag:s9] =	ssyncadd.s32 $0xFFFFC000  }
0x16: {  	[spmem:s12], [sflag:s11] =	dma.local [hbm:s6], $0x2780  }
0x17: {  	_ =	swait.ge [sflag:s9], $0x2780  }
0x18: {  	[sflag:s9] =	ssyncset.done $0x0  }
0x19: {  	[sflag:s9] =	ssyncadd.s32 $0xFFFFD880  }
0x1a: {  	s15 =	simm.s32 $0x0;
	[bflag:$0x0] =	sbarrier.arrive $0xFFFF  }
0x1b: {  	[spmem:s2] =	stream.indirect.scatter.add.f32 [tilespmem:s10], [sflag:$0x1], $0x80, s15, s13, $0xb8;
	[tilespmem:$0x1A400] =	vst v63  }
0x1c: {  	_ =	swait.ge [sflag:s9], $0x4000  }
0x1d: {  	s15 =	simm.s32 $0x200;
	[sflag:s9] =	ssyncset.done $0x0  }
.LBB2_2:
0x1e: {  	s16 =	sshra.s32 s15, $0x2;
	[sflag:s9] =	ssyncadd.s32 $0xFFFFC000;
	p0 =	sne.s32 s15, $0x9C00  }
0x1f: {  	[spmem:s2] =	stream.indirect.scatter.add.f32 [tilespmem:s10], [sflag:$0x1], $0x80, s16, s13, $0xb8;
	[tilespmem:$0x1A400] =	vst v63  }
.Ltmp0:
0x20: {  	_ = 	snop;
	(pc) =	sbr.rel @p0 .LBB2_2-.Ltmp0, $4  }
0x21: {  	_ = 	snop  }
0x22: {  	s15 =	sadd.s32 $0x200, s15  }
0x23: {  	_ =	swait.ge [sflag:s9], $0x4000  }
0x24: {  	[sflag:s9] =	ssyncset.done $0x0  }
0x25: {  	s14 =	sadd.s32 $0x1, s14  }
0x26: {  	[sflag:s9] =	ssyncadd.s32 $0xFFFFC000;
	p0 =	sne.s32 s14, s8  }
.Ltmp1:
0x27: {  	[bflag:$0x0] =	sbarrier.arrive $0xFFFF;
	(pc) =	sbr.rel @p0 .LBB2_1-.Ltmp1, $4  }
0x28: {  	[hbm:s7], [sflag:s11] =	dma.local [spmem:s12], $0x2780  }
0x29: {  	_ =	swait.ge [sflag:s9], $0x2780  }
0x2a: {  	[sflag:s9] =	ssyncset.done $0x0  }
0x2b: {  	[sflag:s9] =	ssyncadd.s32 $0xFFFFD880  }
0x2c: {  	_ =	sfence.sel $0x180000  }
0x2d: {  	[bflag:$0x0] =	sbarrier.arrive $0xFFFF  }
0x2e: {  	p0 =	sne.s32 s0, $0x0;
	_ =	strace $0x90000047  }
0x2f: {  	s0 =	sadd.s32 @!p0 $0x100000, s1;
	[bflag:$0x2] =	sbarrier.arrive $0xFFFF  }
0x30: {  	[sflag:s0] =	ssyncadd.tile.s32 @!p0 $0x1;
	_ =	shalt  }
.Lfunc_end2:
_tile_overlayer_lowered:
.L_overlay_start_2:
0x31: {  	(tag) =	ssettag $0x2  }
0x32: {  	s0 =	rddreg [dreg:$0x0];
	s2 =	stileid.u32  }
0x33: {  	s1 =	rddreg [dreg:$0x1];
	p0 =	sne.s32 s2, $0x0  }
0x34: {  	s3 =	rddreg [dreg:$0x2];
	[bflag:$0x3] =	sbarrier.arrive $0xFFFF;
	s2 =	simm.s32 @!p0 $0x1C01  }
0x35: {  	[timem:s3], [sflag:s2] =	dma.local @!p0 [hbm:s0], s1  }
0x36: {  	s0 =	simm.s32 @!p0 $0x1  }
0x37: {  	_ =	swait.ge @!p0 [sflag:s0], s1  }
0x38: {  	s1 =	ssub.s32 @!p0 $0x0, s1;
	[sflag:s0] =	ssyncset.done @!p0 $0x0  }
0x39: {  	[sflag:s0] =	ssyncadd.s32 @!p0 s1  }
0x3a: {  	[bflag:$0x3] =	sbarrier.arrive $0xFFFF  }
0x3b: {  	_ =	shalt  }

</sc_bundles>
